<compile_context>
chip_gen: v7x
topology: tpu7x:2x2x1
jax: 0.10.2.dev20260603
libtpu: 0.0.44.dev20260713+nightly
codegen_flags: <defaults>
</compile_context>

<pallas_src>
import functools

import jax
import jax.numpy as jnp
from jax import lax
from jax.experimental import pallas as pl
from jax.experimental.pallas import tpu as pltpu
from jax.experimental.pallas import tpu_sc as plsc

_NBR = 5
_NCOMP = 32
_FWB = 32
_N = 1024
_NW = 32
_RPW = _N // _NW
_LANE = 16


_CAND = (_NBR + 1) * _LANE


@functools.partial(
    pl.kernel,
    mesh=plsc.VectorSubcoreMesh(core_axis_name="c", subcore_axis_name="s"),
    out_type=[
        jax.ShapeDtypeStruct((_N, _CAND), jnp.float32),
        jax.ShapeDtypeStruct((_N, _CAND), jnp.int32),
    ],
    scratch_types=[
        pltpu.VMEM((_RPW, _N), jnp.float32),
        pltpu.VMEM((_RPW, _CAND), jnp.float32),
        pltpu.VMEM((_RPW, _CAND), jnp.int32),
    ],
)
def _sc_knn(dist_hbm, cval_hbm, cidx_hbm, rows_v, cval_v, cidx_v):
    wid = lax.axis_index("s") * 2 + lax.axis_index("c")
    base = wid * _RPW
    lanes = lax.iota(jnp.int32, _LANE)
    bigf = jnp.full((_LANE,), 3.0e38, jnp.float32)
    zero = jnp.zeros((_LANE,), jnp.int32)
    pltpu.sync_copy(dist_hbm.at[pl.ds(base, _RPW)], rows_v)

    def row_body(r, carry):
        def chunk_body(c, mc):
            ms, idxs = mc
            v = rows_v[r, pl.ds(c * _LANE, _LANE)]
            gi = c * _LANE + lanes
            bs = [v < mk for mk in ms]
            nms, nis = [], []
            for k in range(_NBR, 0, -1):
                nms.insert(0, jnp.where(bs[k - 1], ms[k - 1],
                                        jnp.where(bs[k], v, ms[k])))
                nis.insert(0, jnp.where(bs[k - 1], idxs[k - 1],
                                        jnp.where(bs[k], gi, idxs[k])))
            nms.insert(0, jnp.where(bs[0], v, ms[0]))
            nis.insert(0, jnp.where(bs[0], gi, idxs[0]))
            return (nms, nis)

        ms, idxs = lax.fori_loop(
            0, _N // _LANE, chunk_body,
            ([bigf] * (_NBR + 1), [zero] * (_NBR + 1)))
        for t in range(_NBR + 1):
            cval_v[r, pl.ds(t * _LANE, _LANE)] = ms[t]
            cidx_v[r, pl.ds(t * _LANE, _LANE)] = idxs[t]
        return carry

    lax.fori_loop(0, _RPW, row_body, 0)
    pltpu.sync_copy(cval_v, cval_hbm.at[pl.ds(base, _RPW)])
    pltpu.sync_copy(cidx_v, cidx_hbm.at[pl.ds(base, _RPW)])


def _graph_body(dist_ref, cval_ref, cidx_ref, d_ref):
    n = dist_ref.shape[0]
    inf = jnp.float32(jnp.inf)
    dist = dist_ref[...]
    d_ref[...] = jnp.full((n, n), inf, jnp.float32)
    colidx = jax.lax.broadcasted_iota(jnp.int32, (n, n), 1)

    vals = cval_ref[...]
    idxs = cidx_ref[...]
    big = jnp.float32(3.0e38)
    for t in range(_NBR + 1):
        rowmin = jnp.min(vals, axis=1, keepdims=True)
        sel = vals == rowmin
        widx = jnp.min(jnp.where(sel, idxs, n), axis=1, keepdims=True)
        if t > 0:
            d_ref[...] = jnp.where(colidx == widx, dist, d_ref[...])
        vals = jnp.where(idxs == widx, big, vals)

    a = jnp.minimum(d_ref[...], jnp.transpose(d_ref[...]))
    eye = jax.lax.broadcasted_iota(jnp.int32, (n, n), 0) == colidx
    d_ref[...] = jnp.where(eye, 0.0, a)

    def fw_block(kb, carry):
        k0 = kb * _FWB
        p = d_ref[pl.ds(k0, _FWB), :]
        pd = pltpu.roll(p, -k0, 1)[:, :_FWB]
        snaps = []
        for t in range(_FWB):
            rowt = p[t:t + 1, :]
            snaps.append(rowt)
            colt = pd[:, t:t + 1]
            p = jnp.minimum(p, colt + rowt)
            pd = jnp.minimum(pd, colt + pd[t:t + 1, :])
        s = jnp.concatenate(snaps, axis=0)
        st = jnp.transpose(s)
        upd = st[:, 0:1] + s[0:1, :]
        for t in range(1, _FWB):
            upd = jnp.minimum(upd, st[:, t:t + 1] + s[t:t + 1, :])
        d_ref[...] = jnp.minimum(d_ref[...], upd)
        return carry

    jax.lax.fori_loop(0, n // _FWB, fw_block, 0)


def kernel(toLearn):
    flat = toLearn.reshape(toLearn.shape[0], -1)
    n = flat.shape[0]
    sq = jnp.sum(flat * flat, axis=1)
    d2 = sq[:, None] + sq[None, :] - 2.0 * (flat @ flat.T)
    d2 = jnp.maximum(d2, 0.0)
    dist = jnp.sqrt(d2)

    cval, cidx = _sc_knn(dist)
    D = pl.pallas_call(
        _graph_body,
        out_shape=jax.ShapeDtypeStruct((n, n), jnp.float32),
    )(dist, cval, cidx)

    finite = jnp.isfinite(D)
    dmax = jnp.max(jnp.where(finite, D, 0.0))
    D = jnp.where(finite, D, dmax)
    D2 = D * D
    G = -0.5 * (D2 - D2.mean(axis=0, keepdims=True)
                - D2.mean(axis=1, keepdims=True) + D2.mean())
    w, v = jnp.linalg.eigh(G)
    w = w[::-1][:_NCOMP]
    v = v[:, ::-1][:, :_NCOMP]
    emb = v * jnp.sqrt(jnp.maximum(w, 0.0))[None, :]
    return emb.astype(jnp.float32)

# --- scband reference (transcript-rebuilt; emitter-appended) ---
"""Pipeline reference for scband-isomap-10823317586023 (READ-ONLY COPY).

The authoritative reference and input builder live on the scoring server;
editing this copy changes nothing except your own understanding.
"""

import jax, jax.numpy as jnp
import numpy as np

N_COMPONENTS = 32
N_NEIGHBORS = 5


def _isomap(flat):
    n = flat.shape[0]
    sq = jnp.sum(flat * flat, axis=1)
    d2 = sq[:, None] + sq[None, :] - 2.0 * (flat @ flat.T)
    d2 = jnp.maximum(d2, 0.0)
    dist = jnp.sqrt(d2)
    # k nearest neighbors (excluding self, which has distance 0 and sorts first)
    neg_d, idx = jax.lax.top_k(-dist, N_NEIGHBORS + 1)
    nbr_d = -neg_d[:, 1:]
    nbr_i = idx[:, 1:]
    A = jnp.full((n, n), jnp.inf, dtype=flat.dtype)
    rows = jnp.repeat(jnp.arange(n), N_NEIGHBORS)
    A = A.at[rows, nbr_i.reshape(-1)].set(nbr_d.reshape(-1))
    # symmetrize (undirected kNN graph, as in sklearn's shortest_path directed=False)
    A = jnp.minimum(A, A.T)
    A = jnp.where(jnp.eye(n, dtype=bool), 0.0, A)
    # Floyd-Warshall all-pairs shortest path (geodesic distances)
    def body(k, D):
        dk = D[:, k][:, None] + D[k, :][None, :]
        return jnp.minimum(D, dk)
    D = jax.lax.fori_loop(0, n, body, A)
    # guard against disconnected components (sklearn would error; cap at max finite)
    finite = jnp.isfinite(D)
    dmax = jnp.max(jnp.where(finite, D, 0.0))
    D = jnp.where(finite, D, dmax)
    # classical MDS on geodesic distances: G = -0.5 * H D^2 H
    D2 = D * D
    G = -0.5 * (D2 - D2.mean(axis=0, keepdims=True) - D2.mean(axis=1, keepdims=True) + D2.mean())
    w, v = jnp.linalg.eigh(G)
    w = w[::-1][:N_COMPONENTS]
    v = v[:, ::-1][:, :N_COMPONENTS]
    emb = v * jnp.sqrt(jnp.maximum(w, 0.0))[None, :]
    return emb.astype(jnp.float32)


def setup_inputs(seed: int = 0) -> dict:
    key = jax.random.key(seed)
    toLearn = jax.random.normal(key, (1024, 96, 14, 14), dtype=jnp.float32)
    return {"toLearn": toLearn}


def reference(toLearn):
    # torch.flatten(x, 2, 3) then torch.flatten(x, 1, 2) == reshape(B, -1)
    flat = toLearn.reshape(toLearn.shape[0], -1)
    return _isomap(flat)

if __name__ == "__main__":
    import jax
    _d = setup_inputs()
    print(jax.jit(kernel)(*tuple(_d.values())))

</pallas_src>

<mosaic_0001>
#map = affine_map<(d0, d1) -> (0, 0)>
module attributes {stable_mosaic.version = 14 : i64} {
  func.func @_sc_knn(%arg0: i32, %arg1: i32, %arg2: memref<1024x1024xf32, #tpu.memory_space<hbm>>, %arg3: memref<1024x96xf32, #tpu.memory_space<hbm>>, %arg4: memref<1024x96xi32, #tpu.memory_space<hbm>>, %arg5: memref<32x1024xf32, #tpu.memory_space<vmem>>, %arg6: memref<32x96xf32, #tpu.memory_space<vmem>>, %arg7: memref<32x96xi32, #tpu.memory_space<vmem>>) attributes {dimension_semantics = [#tpu.dimension_semantics<core_parallel>, #tpu.dimension_semantics<subcore_parallel>], iteration_bounds = array<i64: 2, 16>, scalar_prefetch = 0 : i64, scratch_operands = 3 : i64, tpu.core_type = #tpu.core_type<sc_vector_subcore>, window_params = [{transform_indices = #map}, {transform_indices = #map}, {transform_indices = #map}]} {
    %mul3A = arith.constant 2 : i32
    %mul3A_0 = arith.muli %arg1, %mul3A : i32
    %add3A = arith.addi %mul3A_0, %arg0 : i32
    %mul3A_1 = arith.constant 32 : i32
    %mul3A_2 = arith.muli %add3A, %mul3A_1 : i32
    %iota3A = tpu.iota {dimensions = array<i32: 0>} : vector<16xi32>
    %broadcast_in_dim3A = arith.constant 3.000000e+38 : f32
    %broadcast_in_dim3A_3 = vector.broadcast %broadcast_in_dim3A : f32 to vector<16xf32>
    %broadcast_in_dim3A_4 = arith.constant 0 : i32
    %broadcast_in_dim3A_5 = vector.broadcast %broadcast_in_dim3A_4 : i32 to vector<16xi32>
    "tpu.region"() ({
      %run_scoped3A = tpu.sem_alloc : memref<!tpu.dma_semaphore, #tpu.memory_space<semaphore_mem>>
      %dma_start3A = arith.constant 0 : i32
      %dma_start3A_11 = tpu.memref_slice %arg2[%mul3A_2, %dma_start3A] : memref<1024x1024xf32, #tpu.memory_space<hbm>> -> memref<32x1024xf32, #tpu.memory_space<hbm>>
      %dma_start3A_12 = arith.constant 0 : i32
      %dma_start3A_13 = tpu.memref_slice %arg2[%mul3A_2, %dma_start3A_12] : memref<1024x1024xf32, #tpu.memory_space<hbm>> -> memref<32x1024xf32, #tpu.memory_space<hbm>>
      tpu.enqueue_dma source(%dma_start3A_13 : memref<32x1024xf32, #tpu.memory_space<hbm>>) target(%arg5 : memref<32x1024xf32, #tpu.memory_space<vmem>>) target_semaphore(%run_scoped3A : memref<!tpu.dma_semaphore, #tpu.memory_space<semaphore_mem>>)
      %dma_wait3A = arith.constant 0 : i32
      %dma_wait3A_14 = tpu.memref_slice %arg2[%mul3A_2, %dma_wait3A] : memref<1024x1024xf32, #tpu.memory_space<hbm>> -> memref<32x1024xf32, #tpu.memory_space<hbm>>
      %dma_wait3A_15 = arith.constant 0 : i32
      %dma_wait3A_16 = tpu.memref_slice %arg2[%mul3A_2, %dma_wait3A_15] : memref<1024x1024xf32, #tpu.memory_space<hbm>> -> memref<32x1024xf32, #tpu.memory_space<hbm>>
      tpu.wait_dma2 semaphore(%run_scoped3A : memref<!tpu.dma_semaphore, #tpu.memory_space<semaphore_mem>>) src(%dma_wait3A_16 : memref<32x1024xf32, #tpu.memory_space<hbm>>) dst(%arg5 : memref<32x1024xf32, #tpu.memory_space<vmem>>)
      tpu.yield
    }) : () -> ()
    %scan3A = arith.constant 0 : i32
    %scan3A_6 = arith.constant 0 : i32
    %scan3A_7 = arith.constant 32 : i32
    %scan3A_8 = arith.addi %scan3A_6, %scan3A_7 : i32
    %scan3A_9 = arith.constant 1 : i32
    scf.for %scan3A_11 = %scan3A_6 to %scan3A_8 step %scan3A_9  : i32 {
      %scan3A_12 = arith.constant 0 : i32
      %scan3A_13 = arith.constant 64 : i32
      %scan3A_14 = arith.addi %scan3A_12, %scan3A_13 : i32
      %scan3A_15 = arith.constant 1 : i32
      %scan3A_16:12 = scf.for %scan3A_77 = %scan3A_12 to %scan3A_14 step %scan3A_15 iter_args(%scan3A_78 = %broadcast_in_dim3A_3, %scan3A_79 = %broadcast_in_dim3A_3, %scan3A_80 = %broadcast_in_dim3A_3, %scan3A_81 = %broadcast_in_dim3A_3, %scan3A_82 = %broadcast_in_dim3A_3, %scan3A_83 = %broadcast_in_dim3A_3, %scan3A_84 = %broadcast_in_dim3A_5, %scan3A_85 = %broadcast_in_dim3A_5, %scan3A_86 = %broadcast_in_dim3A_5, %scan3A_87 = %broadcast_in_dim3A_5, %scan3A_88 = %broadcast_in_dim3A_5, %scan3A_89 = %broadcast_in_dim3A_5) -> (vector<16xf32>, vector<16xf32>, vector<16xf32>, vector<16xf32>, vector<16xf32>, vector<16xf32>, vector<16xi32>, vector<16xi32>, vector<16xi32>, vector<16xi32>, vector<16xi32>, vector<16xi32>)  : i32 {
        %mul3A_90 = arith.constant 16 : i32
        %mul3A_91 = arith.muli %scan3A_77, %mul3A_90 : i32
        %get3A = arith.index_cast %scan3A_11 : i32 to index
        %get3A_92 = arith.index_cast %mul3A_91 : i32 to index
        %get3A_93 = tpu.vector_load %arg5[%get3A, %get3A_92] {strides = array<i32>} : memref<32x1024xf32, #tpu.memory_space<vmem>>, vector<1x16xf32>,
        %get3A_94 = vector.shape_cast %get3A_93 : vector<1x16xf32> to vector<16xf32>
        %mul3A_95 = arith.constant 16 : i32
        %mul3A_96 = arith.muli %scan3A_77, %mul3A_95 : i32
        %add3A_97 = vector.broadcast %mul3A_96 : i32 to vector<16xi32>
        %add3A_98 = arith.addi %add3A_97, %iota3A : vector<16xi32>
        %lt3A = arith.cmpf olt, %get3A_94, %scan3A_78 : vector<16xf32>
        %lt3A_99 = arith.cmpf olt, %get3A_94, %scan3A_79 : vector<16xf32>
        %lt3A_100 = arith.cmpf olt, %get3A_94, %scan3A_80 : vector<16xf32>
        %lt3A_101 = arith.cmpf olt, %get3A_94, %scan3A_81 : vector<16xf32>
        %lt3A_102 = arith.cmpf olt, %get3A_94, %scan3A_82 : vector<16xf32>
        %lt3A_103 = arith.cmpf olt, %get3A_94, %scan3A_83 : vector<16xf32>
        %select_n3A = arith.select %lt3A_103, %get3A_94, %scan3A_83 : vector<16xi1>, vector<16xf32>
        %select_n3A_104 = arith.select %lt3A_102, %scan3A_82, %select_n3A : vector<16xi1>, vector<16xf32>
        %select_n3A_105 = arith.select %lt3A_103, %add3A_98, %scan3A_89 : vector<16xi1>, vector<16xi32>
        %select_n3A_106 = arith.select %lt3A_102, %scan3A_88, %select_n3A_105 : vector<16xi1>, vector<16xi32>
        %select_n3A_107 = arith.select %lt3A_102, %get3A_94, %scan3A_82 : vector<16xi1>, vector<16xf32>
        %select_n3A_108 = arith.select %lt3A_101, %scan3A_81, %select_n3A_107 : vector<16xi1>, vector<16xf32>
        %select_n3A_109 = arith.select %lt3A_102, %add3A_98, %scan3A_88 : vector<16xi1>, vector<16xi32>
        %select_n3A_110 = arith.select %lt3A_101, %scan3A_87, %select_n3A_109 : vector<16xi1>, vector<16xi32>
        %select_n3A_111 = arith.select %lt3A_101, %get3A_94, %scan3A_81 : vector<16xi1>, vector<16xf32>
        %select_n3A_112 = arith.select %lt3A_100, %scan3A_80, %select_n3A_111 : vector<16xi1>, vector<16xf32>
        %select_n3A_113 = arith.select %lt3A_101, %add3A_98, %scan3A_87 : vector<16xi1>, vector<16xi32>
        %select_n3A_114 = arith.select %lt3A_100, %scan3A_86, %select_n3A_113 : vector<16xi1>, vector<16xi32>
        %select_n3A_115 = arith.select %lt3A_100, %get3A_94, %scan3A_80 : vector<16xi1>, vector<16xf32>
        %select_n3A_116 = arith.select %lt3A_99, %scan3A_79, %select_n3A_115 : vector<16xi1>, vector<16xf32>
        %select_n3A_117 = arith.select %lt3A_100, %add3A_98, %scan3A_86 : vector<16xi1>, vector<16xi32>
        %select_n3A_118 = arith.select %lt3A_99, %scan3A_85, %select_n3A_117 : vector<16xi1>, vector<16xi32>
        %select_n3A_119 = arith.select %lt3A_99, %get3A_94, %scan3A_79 : vector<16xi1>, vector<16xf32>
        %select_n3A_120 = arith.select %lt3A, %scan3A_78, %select_n3A_119 : vector<16xi1>, vector<16xf32>
        %select_n3A_121 = arith.select %lt3A_99, %add3A_98, %scan3A_85 : vector<16xi1>, vector<16xi32>
        %select_n3A_122 = arith.select %lt3A, %scan3A_84, %select_n3A_121 : vector<16xi1>, vector<16xi32>
        %select_n3A_123 = arith.select %lt3A, %get3A_94, %scan3A_78 : vector<16xi1>, vector<16xf32>
        %select_n3A_124 = arith.select %lt3A, %add3A_98, %scan3A_84 : vector<16xi1>, vector<16xi32>
        scf.yield %select_n3A_123, %select_n3A_120, %select_n3A_116, %select_n3A_112, %select_n3A_108, %select_n3A_104, %select_n3A_124, %select_n3A_122, %select_n3A_118, %select_n3A_114, %select_n3A_110, %select_n3A_106 : vector<16xf32>, vector<16xf32>, vector<16xf32>, vector<16xf32>, vector<16xf32>, vector<16xf32>, vector<16xi32>, vector<16xi32>, vector<16xi32>, vector<16xi32>, vector<16xi32>, vector<16xi32>
      }
      %scan3A_17 = arith.constant 64 : i32
      %swap3A = arith.index_cast %scan3A_11 : i32 to index
      %swap3A_18 = arith.constant 0 : index
      %swap3A_19 = tpu.vector_load %arg6[%swap3A, %swap3A_18] {strides = array<i32>} : memref<32x96xf32, #tpu.memory_space<vmem>>, vector<1x16xf32>,
      %swap3A_20 = vector.shape_cast %swap3A_19 : vector<1x16xf32> to vector<16xf32>
      %swap3A_21 = vector.shape_cast %scan3A_16#0 : vector<16xf32> to vector<1x16xf32>
      tpu.vector_store %arg6[%swap3A, %swap3A_18], %swap3A_21 {strides = array<i32>} : memref<32x96xf32, #tpu.memory_space<vmem>>, vector<1x16xf32>,
      %swap3A_22 = arith.index_cast %scan3A_11 : i32 to index
      %swap3A_23 = arith.constant 0 : index
      %swap3A_24 = tpu.vector_load %arg7[%swap3A_22, %swap3A_23] {strides = array<i32>} : memref<32x96xi32, #tpu.memory_space<vmem>>, vector<1x16xi32>,
      %swap3A_25 = vector.shape_cast %swap3A_24 : vector<1x16xi32> to vector<16xi32>
      %swap3A_26 = vector.shape_cast %scan3A_16#6 : vector<16xi32> to vector<1x16xi32>
      tpu.vector_store %arg7[%swap3A_22, %swap3A_23], %swap3A_26 {strides = array<i32>} : memref<32x96xi32, #tpu.memory_space<vmem>>, vector<1x16xi32>,
      %swap3A_27 = arith.index_cast %scan3A_11 : i32 to index
      %swap3A_28 = arith.constant 16 : index
      %swap3A_29 = tpu.vector_load %arg6[%swap3A_27, %swap3A_28] {strides = array<i32>} : memref<32x96xf32, #tpu.memory_space<vmem>>, vector<1x16xf32>,
      %swap3A_30 = vector.shape_cast %swap3A_29 : vector<1x16xf32> to vector<16xf32>
      %swap3A_31 = vector.shape_cast %scan3A_16#1 : vector<16xf32> to vector<1x16xf32>
      tpu.vector_store %arg6[%swap3A_27, %swap3A_28], %swap3A_31 {strides = array<i32>} : memref<32x96xf32, #tpu.memory_space<vmem>>, vector<1x16xf32>,
      %swap3A_32 = arith.index_cast %scan3A_11 : i32 to index
      %swap3A_33 = arith.constant 16 : index
      %swap3A_34 = tpu.vector_load %arg7[%swap3A_32, %swap3A_33] {strides = array<i32>} : memref<32x96xi32, #tpu.memory_space<vmem>>, vector<1x16xi32>,
      %swap3A_35 = vector.shape_cast %swap3A_34 : vector<1x16xi32> to vector<16xi32>
      %swap3A_36 = vector.shape_cast %scan3A_16#7 : vector<16xi32> to vector<1x16xi32>
      tpu.vector_store %arg7[%swap3A_32, %swap3A_33], %swap3A_36 {strides = array<i32>} : memref<32x96xi32, #tpu.memory_space<vmem>>, vector<1x16xi32>,
      %swap3A_37 = arith.index_cast %scan3A_11 : i32 to index
      %swap3A_38 = arith.constant 32 : index
      %swap3A_39 = tpu.vector_load %arg6[%swap3A_37, %swap3A_38] {strides = array<i32>} : memref<32x96xf32, #tpu.memory_space<vmem>>, vector<1x16xf32>,
      %swap3A_40 = vector.shape_cast %swap3A_39 : vector<1x16xf32> to vector<16xf32>
      %swap3A_41 = vector.shape_cast %scan3A_16#2 : vector<16xf32> to vector<1x16xf32>
      tpu.vector_store %arg6[%swap3A_37, %swap3A_38], %swap3A_41 {strides = array<i32>} : memref<32x96xf32, #tpu.memory_space<vmem>>, vector<1x16xf32>,
      %swap3A_42 = arith.index_cast %scan3A_11 : i32 to index
      %swap3A_43 = arith.constant 32 : index
      %swap3A_44 = tpu.vector_load %arg7[%swap3A_42, %swap3A_43] {strides = array<i32>} : memref<32x96xi32, #tpu.memory_space<vmem>>, vector<1x16xi32>,
      %swap3A_45 = vector.shape_cast %swap3A_44 : vector<1x16xi32> to vector<16xi32>
      %swap3A_46 = vector.shape_cast %scan3A_16#8 : vector<16xi32> to vector<1x16xi32>
      tpu.vector_store %arg7[%swap3A_42, %swap3A_43], %swap3A_46 {strides = array<i32>} : memref<32x96xi32, #tpu.memory_space<vmem>>, vector<1x16xi32>,
      %swap3A_47 = arith.index_cast %scan3A_11 : i32 to index
      %swap3A_48 = arith.constant 48 : index
      %swap3A_49 = tpu.vector_load %arg6[%swap3A_47, %swap3A_48] {strides = array<i32>} : memref<32x96xf32, #tpu.memory_space<vmem>>, vector<1x16xf32>,
      %swap3A_50 = vector.shape_cast %swap3A_49 : vector<1x16xf32> to vector<16xf32>
      %swap3A_51 = vector.shape_cast %scan3A_16#3 : vector<16xf32> to vector<1x16xf32>
      tpu.vector_store %arg6[%swap3A_47, %swap3A_48], %swap3A_51 {strides = array<i32>} : memref<32x96xf32, #tpu.memory_space<vmem>>, vector<1x16xf32>,
      %swap3A_52 = arith.index_cast %scan3A_11 : i32 to index
      %swap3A_53 = arith.constant 48 : index
      %swap3A_54 = tpu.vector_load %arg7[%swap3A_52, %swap3A_53] {strides = array<i32>} : memref<32x96xi32, #tpu.memory_space<vmem>>, vector<1x16xi32>,
      %swap3A_55 = vector.shape_cast %swap3A_54 : vector<1x16xi32> to vector<16xi32>
      %swap3A_56 = vector.shape_cast %scan3A_16#9 : vector<16xi32> to vector<1x16xi32>
      tpu.vector_store %arg7[%swap3A_52, %swap3A_53], %swap3A_56 {strides = array<i32>} : memref<32x96xi32, #tpu.memory_space<vmem>>, vector<1x16xi32>,
      %swap3A_57 = arith.index_cast %scan3A_11 : i32 to index
      %swap3A_58 = arith.constant 64 : index
      %swap3A_59 = tpu.vector_load %arg6[%swap3A_57, %swap3A_58] {strides = array<i32>} : memref<32x96xf32, #tpu.memory_space<vmem>>, vector<1x16xf32>,
      %swap3A_60 = vector.shape_cast %swap3A_59 : vector<1x16xf32> to vector<16xf32>
      %swap3A_61 = vector.shape_cast %scan3A_16#4 : vector<16xf32> to vector<1x16xf32>
      tpu.vector_store %arg6[%swap3A_57, %swap3A_58], %swap3A_61 {strides = array<i32>} : memref<32x96xf32, #tpu.memory_space<vmem>>, vector<1x16xf32>,
      %swap3A_62 = arith.index_cast %scan3A_11 : i32 to index
      %swap3A_63 = arith.constant 64 : index
      %swap3A_64 = tpu.vector_load %arg7[%swap3A_62, %swap3A_63] {strides = array<i32>} : memref<32x96xi32, #tpu.memory_space<vmem>>, vector<1x16xi32>,
      %swap3A_65 = vector.shape_cast %swap3A_64 : vector<1x16xi32> to vector<16xi32>
      %swap3A_66 = vector.shape_cast %scan3A_16#10 : vector<16xi32> to vector<1x16xi32>
      tpu.vector_store %arg7[%swap3A_62, %swap3A_63], %swap3A_66 {strides = array<i32>} : memref<32x96xi32, #tpu.memory_space<vmem>>, vector<1x16xi32>,
      %swap3A_67 = arith.index_cast %scan3A_11 : i32 to index
      %swap3A_68 = arith.constant 80 : index
      %swap3A_69 = tpu.vector_load %arg6[%swap3A_67, %swap3A_68] {strides = array<i32>} : memref<32x96xf32, #tpu.memory_space<vmem>>, vector<1x16xf32>,
      %swap3A_70 = vector.shape_cast %swap3A_69 : vector<1x16xf32> to vector<16xf32>
      %swap3A_71 = vector.shape_cast %scan3A_16#5 : vector<16xf32> to vector<1x16xf32>
      tpu.vector_store %arg6[%swap3A_67, %swap3A_68], %swap3A_71 {strides = array<i32>} : memref<32x96xf32, #tpu.memory_space<vmem>>, vector<1x16xf32>,
      %swap3A_72 = arith.index_cast %scan3A_11 : i32 to index
      %swap3A_73 = arith.constant 80 : index
      %swap3A_74 = tpu.vector_load %arg7[%swap3A_72, %swap3A_73] {strides = array<i32>} : memref<32x96xi32, #tpu.memory_space<vmem>>, vector<1x16xi32>,
      %swap3A_75 = vector.shape_cast %swap3A_74 : vector<1x16xi32> to vector<16xi32>
      %swap3A_76 = vector.shape_cast %scan3A_16#11 : vector<16xi32> to vector<1x16xi32>
      tpu.vector_store %arg7[%swap3A_72, %swap3A_73], %swap3A_76 {strides = array<i32>} : memref<32x96xi32, #tpu.memory_space<vmem>>, vector<1x16xi32>,
    }
    %scan3A_10 = arith.constant 32 : i32
    "tpu.region"() ({
      %run_scoped3A = tpu.sem_alloc : memref<!tpu.dma_semaphore, #tpu.memory_space<semaphore_mem>>
      %dma_start3A = arith.constant 0 : i32
      %dma_start3A_11 = tpu.memref_slice %arg3[%mul3A_2, %dma_start3A] : memref<1024x96xf32, #tpu.memory_space<hbm>> -> memref<32x96xf32, #tpu.memory_space<hbm>>
      %dma_start3A_12 = arith.constant 0 : i32
      %dma_start3A_13 = tpu.memref_slice %arg3[%mul3A_2, %dma_start3A_12] : memref<1024x96xf32, #tpu.memory_space<hbm>> -> memref<32x96xf32, #tpu.memory_space<hbm>>
      tpu.enqueue_dma source(%arg6 : memref<32x96xf32, #tpu.memory_space<vmem>>) target(%dma_start3A_13 : memref<32x96xf32, #tpu.memory_space<hbm>>) target_semaphore(%run_scoped3A : memref<!tpu.dma_semaphore, #tpu.memory_space<semaphore_mem>>)
      %dma_wait3A = arith.constant 0 : i32
      %dma_wait3A_14 = tpu.memref_slice %arg3[%mul3A_2, %dma_wait3A] : memref<1024x96xf32, #tpu.memory_space<hbm>> -> memref<32x96xf32, #tpu.memory_space<hbm>>
      %dma_wait3A_15 = arith.constant 0 : i32
      %dma_wait3A_16 = tpu.memref_slice %arg3[%mul3A_2, %dma_wait3A_15] : memref<1024x96xf32, #tpu.memory_space<hbm>> -> memref<32x96xf32, #tpu.memory_space<hbm>>
      tpu.wait_dma2 semaphore(%run_scoped3A : memref<!tpu.dma_semaphore, #tpu.memory_space<semaphore_mem>>) src(%arg6 : memref<32x96xf32, #tpu.memory_space<vmem>>) dst(%dma_wait3A_16 : memref<32x96xf32, #tpu.memory_space<hbm>>)
      tpu.yield
    }) : () -> ()
    "tpu.region"() ({
      %run_scoped3A = tpu.sem_alloc : memref<!tpu.dma_semaphore, #tpu.memory_space<semaphore_mem>>
      %dma_start3A = arith.constant 0 : i32
      %dma_start3A_11 = tpu.memref_slice %arg4[%mul3A_2, %dma_start3A] : memref<1024x96xi32, #tpu.memory_space<hbm>> -> memref<32x96xi32, #tpu.memory_space<hbm>>
      %dma_start3A_12 = arith.constant 0 : i32
      %dma_start3A_13 = tpu.memref_slice %arg4[%mul3A_2, %dma_start3A_12] : memref<1024x96xi32, #tpu.memory_space<hbm>> -> memref<32x96xi32, #tpu.memory_space<hbm>>
      tpu.enqueue_dma source(%arg7 : memref<32x96xi32, #tpu.memory_space<vmem>>) target(%dma_start3A_13 : memref<32x96xi32, #tpu.memory_space<hbm>>) target_semaphore(%run_scoped3A : memref<!tpu.dma_semaphore, #tpu.memory_space<semaphore_mem>>)
      %dma_wait3A = arith.constant 0 : i32
      %dma_wait3A_14 = tpu.memref_slice %arg4[%mul3A_2, %dma_wait3A] : memref<1024x96xi32, #tpu.memory_space<hbm>> -> memref<32x96xi32, #tpu.memory_space<hbm>>
      %dma_wait3A_15 = arith.constant 0 : i32
      %dma_wait3A_16 = tpu.memref_slice %arg4[%mul3A_2, %dma_wait3A_15] : memref<1024x96xi32, #tpu.memory_space<hbm>> -> memref<32x96xi32, #tpu.memory_space<hbm>>
      tpu.wait_dma2 semaphore(%run_scoped3A : memref<!tpu.dma_semaphore, #tpu.memory_space<semaphore_mem>>) src(%arg7 : memref<32x96xi32, #tpu.memory_space<vmem>>) dst(%dma_wait3A_16 : memref<32x96xi32, #tpu.memory_space<hbm>>)
      tpu.yield
    }) : () -> ()
    return
  }
}

module attributes {stable_mosaic.version = 14 : i64} {
  func.func @_graph_body(%arg0: memref<1024x1024xf32, #tpu.memory_space<vmem>>, %arg1: memref<1024x96xf32, #tpu.memory_space<vmem>>, %arg2: memref<1024x96xi32, #tpu.memory_space<vmem>>, %arg3: memref<1024x1024xf32, #tpu.memory_space<vmem>>) attributes {dimension_semantics = [], scalar_prefetch = 0 : i64, scratch_operands = 0 : i64, tpu.core_type = #tpu.core_type<tc>} {
    %get3A = arith.constant 0 : index
    %get3A_0 = arith.constant 0 : index
    %get3A_1 = vector.load %arg0[%get3A, %get3A_0] : memref<1024x1024xf32, #tpu.memory_space<vmem>>, vector<1024x1024xf32>
    %broadcast_in_dim3A = arith.constant 0x7F800000 : f32
    %broadcast_in_dim3A_2 = vector.broadcast %broadcast_in_dim3A : f32 to vector<1024x1024xf32>
    %swap3A = arith.constant 0 : index
    %swap3A_3 = arith.constant 0 : index
    %swap3A_4 = vector.load %arg3[%swap3A, %swap3A_3] : memref<1024x1024xf32, #tpu.memory_space<vmem>>, vector<1024x1024xf32>
    tpu.vector_store %arg3[%swap3A, %swap3A_3], %broadcast_in_dim3A_2 {strides = array<i32>} : memref<1024x1024xf32, #tpu.memory_space<vmem>>, vector<1024x1024xf32>,
    %iota3A = tpu.iota {dimensions = array<i32: 1>} : vector<1024x1024xi32>
    %get3A_5 = arith.constant 0 : index
    %get3A_6 = arith.constant 0 : index
    %get3A_7 = vector.load %arg1[%get3A_5, %get3A_6] : memref<1024x96xf32, #tpu.memory_space<vmem>>, vector<1024x96xf32>
    %get3A_8 = arith.constant 0 : index
    %get3A_9 = arith.constant 0 : index
    %get3A_10 = vector.load %arg2[%get3A_8, %get3A_9] : memref<1024x96xi32, #tpu.memory_space<vmem>>, vector<1024x96xi32>
    %reduce_min3A = arith.constant dense<0x7F800000> : vector<1024xf32>
    %reduce_min3A_11 = vector.multi_reduction <minimumf>, %get3A_7, %reduce_min3A [1] : vector<1024x96xf32> to vector<1024xf32>
    %broadcast_in_dim3A_12 = vector.shape_cast %reduce_min3A_11 : vector<1024xf32> to vector<1024x1xf32>
    %eq3A = vector.broadcast %broadcast_in_dim3A_12 : vector<1024x1xf32> to vector<1024x96xf32>
    %eq3A_13 = arith.cmpf oeq, %get3A_7, %eq3A : vector<1024x96xf32>
    %jit3A = arith.constant 1024 : i32
    %broadcast_in_dim3A_14 = vector.broadcast %jit3A : i32 to vector<1024x96xi32>
    %select_n3A = arith.select %eq3A_13, %get3A_10, %broadcast_in_dim3A_14 : vector<1024x96xi1>, vector<1024x96xi32>
    %reduce_min3A_15 = arith.constant dense<2147483647> : vector<1024xi32>
    %reduce_min3A_16 = vector.multi_reduction <minsi>, %select_n3A, %reduce_min3A_15 [1] : vector<1024x96xi32> to vector<1024xi32>
    %broadcast_in_dim3A_17 = vector.shape_cast %reduce_min3A_16 : vector<1024xi32> to vector<1024x1xi32>
    %eq3A_18 = vector.broadcast %broadcast_in_dim3A_17 : vector<1024x1xi32> to vector<1024x96xi32>
    %eq3A_19 = arith.cmpi eq, %get3A_10, %eq3A_18 : vector<1024x96xi32>
    %jit3A_20 = arith.constant 3.000000e+38 : f32
    %broadcast_in_dim3A_21 = vector.broadcast %jit3A_20 : f32 to vector<1024x96xf32>
    %select_n3A_22 = arith.select %eq3A_19, %broadcast_in_dim3A_21, %get3A_7 : vector<1024x96xi1>, vector<1024x96xf32>
    %reduce_min3A_23 = arith.constant dense<0x7F800000> : vector<1024xf32>
    %reduce_min3A_24 = vector.multi_reduction <minimumf>, %select_n3A_22, %reduce_min3A_23 [1] : vector<1024x96xf32> to vector<1024xf32>
    %broadcast_in_dim3A_25 = vector.shape_cast %reduce_min3A_24 : vector<1024xf32> to vector<1024x1xf32>
    %eq3A_26 = vector.broadcast %broadcast_in_dim3A_25 : vector<1024x1xf32> to vector<1024x96xf32>
    %eq3A_27 = arith.cmpf oeq, %select_n3A_22, %eq3A_26 : vector<1024x96xf32>
    %jit3A_28 = arith.constant 1024 : i32
    %broadcast_in_dim3A_29 = vector.broadcast %jit3A_28 : i32 to vector<1024x96xi32>
    %select_n3A_30 = arith.select %eq3A_27, %get3A_10, %broadcast_in_dim3A_29 : vector<1024x96xi1>, vector<1024x96xi32>
    %reduce_min3A_31 = arith.constant dense<2147483647> : vector<1024xi32>
    %reduce_min3A_32 = vector.multi_reduction <minsi>, %select_n3A_30, %reduce_min3A_31 [1] : vector<1024x96xi32> to vector<1024xi32>
    %broadcast_in_dim3A_33 = vector.shape_cast %reduce_min3A_32 : vector<1024xi32> to vector<1024x1xi32>
    %eq3A_34 = vector.broadcast %broadcast_in_dim3A_33 : vector<1024x1xi32> to vector<1024x1024xi32>
    %eq3A_35 = arith.cmpi eq, %iota3A, %eq3A_34 : vector<1024x1024xi32>
    %get3A_36 = arith.constant 0 : index
    %get3A_37 = arith.constant 0 : index
    %get3A_38 = vector.load %arg3[%get3A_36, %get3A_37] : memref<1024x1024xf32, #tpu.memory_space<vmem>>, vector<1024x1024xf32>
    %select_n3A_39 = arith.select %eq3A_35, %get3A_1, %get3A_38 : vector<1024x1024xi1>, vector<1024x1024xf32>
    %swap3A_40 = arith.constant 0 : index
    %swap3A_41 = arith.constant 0 : index
    %swap3A_42 = vector.load %arg3[%swap3A_40, %swap3A_41] : memref<1024x1024xf32, #tpu.memory_space<vmem>>, vector<1024x1024xf32>
    tpu.vector_store %arg3[%swap3A_40, %swap3A_41], %select_n3A_39 {strides = array<i32>} : memref<1024x1024xf32, #tpu.memory_space<vmem>>, vector<1024x1024xf32>,
    %eq3A_43 = vector.broadcast %broadcast_in_dim3A_33 : vector<1024x1xi32> to vector<1024x96xi32>
    %eq3A_44 = arith.cmpi eq, %get3A_10, %eq3A_43 : vector<1024x96xi32>
    %jit3A_45 = arith.constant 3.000000e+38 : f32
    %broadcast_in_dim3A_46 = vector.broadcast %jit3A_45 : f32 to vector<1024x96xf32>
    %select_n3A_47 = arith.select %eq3A_44, %broadcast_in_dim3A_46, %select_n3A_22 : vector<1024x96xi1>, vector<1024x96xf32>
    %reduce_min3A_48 = arith.constant dense<0x7F800000> : vector<1024xf32>
    %reduce_min3A_49 = vector.multi_reduction <minimumf>, %select_n3A_47, %reduce_min3A_48 [1] : vector<1024x96xf32> to vector<1024xf32>
    %broadcast_in_dim3A_50 = vector.shape_cast %reduce_min3A_49 : vector<1024xf32> to vector<1024x1xf32>
    %eq3A_51 = vector.broadcast %broadcast_in_dim3A_50 : vector<1024x1xf32> to vector<1024x96xf32>
    %eq3A_52 = arith.cmpf oeq, %select_n3A_47, %eq3A_51 : vector<1024x96xf32>
    %jit3A_53 = arith.constant 1024 : i32
    %broadcast_in_dim3A_54 = vector.broadcast %jit3A_53 : i32 to vector<1024x96xi32>
    %select_n3A_55 = arith.select %eq3A_52, %get3A_10, %broadcast_in_dim3A_54 : vector<1024x96xi1>, vector<1024x96xi32>
    %reduce_min3A_56 = arith.constant dense<2147483647> : vector<1024xi32>
    %reduce_min3A_57 = vector.multi_reduction <minsi>, %select_n3A_55, %reduce_min3A_56 [1] : vector<1024x96xi32> to vector<1024xi32>
    %broadcast_in_dim3A_58 = vector.shape_cast %reduce_min3A_57 : vector<1024xi32> to vector<1024x1xi32>
    %eq3A_59 = vector.broadcast %broadcast_in_dim3A_58 : vector<1024x1xi32> to vector<1024x1024xi32>
    %eq3A_60 = arith.cmpi eq, %iota3A, %eq3A_59 : vector<1024x1024xi32>
    %get3A_61 = arith.constant 0 : index
    %get3A_62 = arith.constant 0 : index
    %get3A_63 = vector.load %arg3[%get3A_61, %get3A_62] : memref<1024x1024xf32, #tpu.memory_space<vmem>>, vector<1024x1024xf32>
    %select_n3A_64 = arith.select %eq3A_60, %get3A_1, %get3A_63 : vector<1024x1024xi1>, vector<1024x1024xf32>
    %swap3A_65 = arith.constant 0 : index
    %swap3A_66 = arith.constant 0 : index
    %swap3A_67 = vector.load %arg3[%swap3A_65, %swap3A_66] : memref<1024x1024xf32, #tpu.memory_space<vmem>>, vector<1024x1024xf32>
    tpu.vector_store %arg3[%swap3A_65, %swap3A_66], %select_n3A_64 {strides = array<i32>} : memref<1024x1024xf32, #tpu.memory_space<vmem>>, vector<1024x1024xf32>,
    %eq3A_68 = vector.broadcast %broadcast_in_dim3A_58 : vector<1024x1xi32> to vector<1024x96xi32>
    %eq3A_69 = arith.cmpi eq, %get3A_10, %eq3A_68 : vector<1024x96xi32>
    %jit3A_70 = arith.constant 3.000000e+38 : f32
    %broadcast_in_dim3A_71 = vector.broadcast %jit3A_70 : f32 to vector<1024x96xf32>
    %select_n3A_72 = arith.select %eq3A_69, %broadcast_in_dim3A_71, %select_n3A_47 : vector<1024x96xi1>, vector<1024x96xf32>
    %reduce_min3A_73 = arith.constant dense<0x7F800000> : vector<1024xf32>
    %reduce_min3A_74 = vector.multi_reduction <minimumf>, %select_n3A_72, %reduce_min3A_73 [1] : vector<1024x96xf32> to vector<1024xf32>
    %broadcast_in_dim3A_75 = vector.shape_cast %reduce_min3A_74 : vector<1024xf32> to vector<1024x1xf32>
    %eq3A_76 = vector.broadcast %broadcast_in_dim3A_75 : vector<1024x1xf32> to vector<1024x96xf32>
    %eq3A_77 = arith.cmpf oeq, %select_n3A_72, %eq3A_76 : vector<1024x96xf32>
    %jit3A_78 = arith.constant 1024 : i32
    %broadcast_in_dim3A_79 = vector.broadcast %jit3A_78 : i32 to vector<1024x96xi32>
    %select_n3A_80 = arith.select %eq3A_77, %get3A_10, %broadcast_in_dim3A_79 : vector<1024x96xi1>, vector<1024x96xi32>
    %reduce_min3A_81 = arith.constant dense<2147483647> : vector<1024xi32>
    %reduce_min3A_82 = vector.multi_reduction <minsi>, %select_n3A_80, %reduce_min3A_81 [1] : vector<1024x96xi32> to vector<1024xi32>
    %broadcast_in_dim3A_83 = vector.shape_cast %reduce_min3A_82 : vector<1024xi32> to vector<1024x1xi32>
    %eq3A_84 = vector.broadcast %broadcast_in_dim3A_83 : vector<1024x1xi32> to vector<1024x1024xi32>
    %eq3A_85 = arith.cmpi eq, %iota3A, %eq3A_84 : vector<1024x1024xi32>
    %get3A_86 = arith.constant 0 : index
    %get3A_87 = arith.constant 0 : index
    %get3A_88 = vector.load %arg3[%get3A_86, %get3A_87] : memref<1024x1024xf32, #tpu.memory_space<vmem>>, vector<1024x1024xf32>
    %select_n3A_89 = arith.select %eq3A_85, %get3A_1, %get3A_88 : vector<1024x1024xi1>, vector<1024x1024xf32>
    %swap3A_90 = arith.constant 0 : index
    %swap3A_91 = arith.constant 0 : index
    %swap3A_92 = vector.load %arg3[%swap3A_90, %swap3A_91] : memref<1024x1024xf32, #tpu.memory_space<vmem>>, vector<1024x1024xf32>
    tpu.vector_store %arg3[%swap3A_90, %swap3A_91], %select_n3A_89 {strides = array<i32>} : memref<1024x1024xf32, #tpu.memory_space<vmem>>, vector<1024x1024xf32>,
    %eq3A_93 = vector.broadcast %broadcast_in_dim3A_83 : vector<1024x1xi32> to vector<1024x96xi32>
    %eq3A_94 = arith.cmpi eq, %get3A_10, %eq3A_93 : vector<1024x96xi32>
    %jit3A_95 = arith.constant 3.000000e+38 : f32
    %broadcast_in_dim3A_96 = vector.broadcast %jit3A_95 : f32 to vector<1024x96xf32>
    %select_n3A_97 = arith.select %eq3A_94, %broadcast_in_dim3A_96, %select_n3A_72 : vector<1024x96xi1>, vector<1024x96xf32>
    %reduce_min3A_98 = arith.constant dense<0x7F800000> : vector<1024xf32>
    %reduce_min3A_99 = vector.multi_reduction <minimumf>, %select_n3A_97, %reduce_min3A_98 [1] : vector<1024x96xf32> to vector<1024xf32>
    %broadcast_in_dim3A_100 = vector.shape_cast %reduce_min3A_99 : vector<1024xf32> to vector<1024x1xf32>
    %eq3A_101 = vector.broadcast %broadcast_in_dim3A_100 : vector<1024x1xf32> to vector<1024x96xf32>
    %eq3A_102 = arith.cmpf oeq, %select_n3A_97, %eq3A_101 : vector<1024x96xf32>
    %jit3A_103 = arith.constant 1024 : i32
    %broadcast_in_dim3A_104 = vector.broadcast %jit3A_103 : i32 to vector<1024x96xi32>
    %select_n3A_105 = arith.select %eq3A_102, %get3A_10, %broadcast_in_dim3A_104 : vector<1024x96xi1>, vector<1024x96xi32>
    %reduce_min3A_106 = arith.constant dense<2147483647> : vector<1024xi32>
    %reduce_min3A_107 = vector.multi_reduction <minsi>, %select_n3A_105, %reduce_min3A_106 [1] : vector<1024x96xi32> to vector<1024xi32>
    %broadcast_in_dim3A_108 = vector.shape_cast %reduce_min3A_107 : vector<1024xi32> to vector<1024x1xi32>
    %eq3A_109 = vector.broadcast %broadcast_in_dim3A_108 : vector<1024x1xi32> to vector<1024x1024xi32>
    %eq3A_110 = arith.cmpi eq, %iota3A, %eq3A_109 : vector<1024x1024xi32>
    %get3A_111 = arith.constant 0 : index
    %get3A_112 = arith.constant 0 : index
    %get3A_113 = vector.load %arg3[%get3A_111, %get3A_112] : memref<1024x1024xf32, #tpu.memory_space<vmem>>, vector<1024x1024xf32>
    %select_n3A_114 = arith.select %eq3A_110, %get3A_1, %get3A_113 : vector<1024x1024xi1>, vector<1024x1024xf32>
    %swap3A_115 = arith.constant 0 : index
    %swap3A_116 = arith.constant 0 : index
    %swap3A_117 = vector.load %arg3[%swap3A_115, %swap3A_116] : memref<1024x1024xf32, #tpu.memory_space<vmem>>, vector<1024x1024xf32>
    tpu.vector_store %arg3[%swap3A_115, %swap3A_116], %select_n3A_114 {strides = array<i32>} : memref<1024x1024xf32, #tpu.memory_space<vmem>>, vector<1024x1024xf32>,
    %eq3A_118 = vector.broadcast %broadcast_in_dim3A_108 : vector<1024x1xi32> to vector<1024x96xi32>
    %eq3A_119 = arith.cmpi eq, %get3A_10, %eq3A_118 : vector<1024x96xi32>
    %jit3A_120 = arith.constant 3.000000e+38 : f32
    %broadcast_in_dim3A_121 = vector.broadcast %jit3A_120 : f32 to vector<1024x96xf32>
    %select_n3A_122 = arith.select %eq3A_119, %broadcast_in_dim3A_121, %select_n3A_97 : vector<1024x96xi1>, vector<1024x96xf32>
    %reduce_min3A_123 = arith.constant dense<0x7F800000> : vector<1024xf32>
    %reduce_min3A_124 = vector.multi_reduction <minimumf>, %select_n3A_122, %reduce_min3A_123 [1] : vector<1024x96xf32> to vector<1024xf32>
    %broadcast_in_dim3A_125 = vector.shape_cast %reduce_min3A_124 : vector<1024xf32> to vector<1024x1xf32>
    %eq3A_126 = vector.broadcast %broadcast_in_dim3A_125 : vector<1024x1xf32> to vector<1024x96xf32>
    %eq3A_127 = arith.cmpf oeq, %select_n3A_122, %eq3A_126 : vector<1024x96xf32>
    %jit3A_128 = arith.constant 1024 : i32
    %broadcast_in_dim3A_129 = vector.broadcast %jit3A_128 : i32 to vector<1024x96xi32>
    %select_n3A_130 = arith.select %eq3A_127, %get3A_10, %broadcast_in_dim3A_129 : vector<1024x96xi1>, vector<1024x96xi32>
    %reduce_min3A_131 = arith.constant dense<2147483647> : vector<1024xi32>
    %reduce_min3A_132 = vector.multi_reduction <minsi>, %select_n3A_130, %reduce_min3A_131 [1] : vector<1024x96xi32> to vector<1024xi32>
    %broadcast_in_dim3A_133 = vector.shape_cast %reduce_min3A_132 : vector<1024xi32> to vector<1024x1xi32>
    %eq3A_134 = vector.broadcast %broadcast_in_dim3A_133 : vector<1024x1xi32> to vector<1024x1024xi32>
    %eq3A_135 = arith.cmpi eq, %iota3A, %eq3A_134 : vector<1024x1024xi32>
    %get3A_136 = arith.constant 0 : index
    %get3A_137 = arith.constant 0 : index
    %get3A_138 = vector.load %arg3[%get3A_136, %get3A_137] : memref<1024x1024xf32, #tpu.memory_space<vmem>>, vector<1024x1024xf32>
    %select_n3A_139 = arith.select %eq3A_135, %get3A_1, %get3A_138 : vector<1024x1024xi1>, vector<1024x1024xf32>
    %swap3A_140 = arith.constant 0 : index
    %swap3A_141 = arith.constant 0 : index
    %swap3A_142 = vector.load %arg3[%swap3A_140, %swap3A_141] : memref<1024x1024xf32, #tpu.memory_space<vmem>>, vector<1024x1024xf32>
    tpu.vector_store %arg3[%swap3A_140, %swap3A_141], %select_n3A_139 {strides = array<i32>} : memref<1024x1024xf32, #tpu.memory_space<vmem>>, vector<1024x1024xf32>,
    %get3A_143 = arith.constant 0 : index
    %get3A_144 = arith.constant 0 : index
    %get3A_145 = vector.load %arg3[%get3A_143, %get3A_144] : memref<1024x1024xf32, #tpu.memory_space<vmem>>, vector<1024x1024xf32>
    %get3A_146 = arith.constant 0 : index
    %get3A_147 = arith.constant 0 : index
    %get3A_148 = vector.load %arg3[%get3A_146, %get3A_147] : memref<1024x1024xf32, #tpu.memory_space<vmem>>, vector<1024x1024xf32>
    %transpose3A = tpu.transpose %get3A_148, [1, 0] : vector<1024x1024xf32> -> vector<1024x1024xf32>
    %min3A = arith.minimumf %get3A_145, %transpose3A : vector<1024x1024xf32>
    %iota3A_149 = tpu.iota {dimensions = array<i32: 0>} : vector<1024x1024xi32>
    %eq3A_150 = arith.cmpi eq, %iota3A_149, %iota3A : vector<1024x1024xi32>
    %jit3A_151 = arith.constant 0.000000e+00 : f32
    %broadcast_in_dim3A_152 = vector.broadcast %jit3A_151 : f32 to vector<1024x1024xf32>
    %select_n3A_153 = arith.select %eq3A_150, %broadcast_in_dim3A_152, %min3A : vector<1024x1024xi1>, vector<1024x1024xf32>
    %swap3A_154 = arith.constant 0 : index
    %swap3A_155 = arith.constant 0 : index
    %swap3A_156 = vector.load %arg3[%swap3A_154, %swap3A_155] : memref<1024x1024xf32, #tpu.memory_space<vmem>>, vector<1024x1024xf32>
    tpu.vector_store %arg3[%swap3A_154, %swap3A_155], %select_n3A_153 {strides = array<i32>} : memref<1024x1024xf32, #tpu.memory_space<vmem>>, vector<1024x1024xf32>,
    %scan3A = arith.constant 0 : i32
    %scan3A_157 = arith.constant 32 : i32
    %scan3A_158 = arith.addi %scan3A, %scan3A_157 : i32
    %scan3A_159 = arith.constant 1 : i32
    scf.for %scan3A_161 = %scan3A to %scan3A_158 step %scan3A_159  : i32 {
      %mul3A = arith.constant 32 : i32
      %mul3A_162 = arith.muli %scan3A_161, %mul3A : i32
      %get3A_163 = arith.index_cast %mul3A_162 : i32 to index
      %get3A_164 = arith.constant 0 : index
      %get3A_165 = vector.load %arg3[%get3A_163, %get3A_164] : memref<1024x1024xf32, #tpu.memory_space<vmem>>, vector<32x1024xf32>
      %neg3A = arith.constant 0 : i32
      %neg3A_166 = arith.subi %neg3A, %mul3A_162 : i32
      %roll3A = tpu.dynamic_rotate %get3A_165 by %neg3A_166 dim 1 : vector<32x1024xf32>, i32 -> vector<32x1024xf32>
      %slice3A = vector.extract_strided_slice %roll3A {offsets = [0, 0], sizes = [32, 32], strides = [1, 1]} : vector<32x1024xf32> to vector<32x32xf32>
      %slice3A_167 = vector.extract_strided_slice %get3A_165 {offsets = [0, 0], sizes = [1, 1024], strides = [1, 1]} : vector<32x1024xf32> to vector<1x1024xf32>
      %slice3A_168 = vector.extract_strided_slice %slice3A {offsets = [0, 0], sizes = [32, 1], strides = [1, 1]} : vector<32x32xf32> to vector<32x1xf32>
      %add3A = vector.broadcast %slice3A_168 : vector<32x1xf32> to vector<32x1024xf32>
      %add3A_169 = vector.broadcast %slice3A_167 : vector<1x1024xf32> to vector<32x1024xf32>
      %add3A_170 = arith.addf %add3A, %add3A_169 : vector<32x1024xf32>
      %min3A_171 = arith.minimumf %get3A_165, %add3A_170 : vector<32x1024xf32>
      %slice3A_172 = vector.extract_strided_slice %slice3A {offsets = [0, 0], sizes = [1, 32], strides = [1, 1]} : vector<32x32xf32> to vector<1x32xf32>
      %add3A_173 = vector.broadcast %slice3A_168 : vector<32x1xf32> to vector<32x32xf32>
      %add3A_174 = vector.broadcast %slice3A_172 : vector<1x32xf32> to vector<32x32xf32>
      %add3A_175 = arith.addf %add3A_173, %add3A_174 : vector<32x32xf32>
      %min3A_176 = arith.minimumf %slice3A, %add3A_175 : vector<32x32xf32>
      %slice3A_177 = vector.extract_strided_slice %min3A_171 {offsets = [1, 0], sizes = [1, 1024], strides = [1, 1]} : vector<32x1024xf32> to vector<1x1024xf32>
      %slice3A_178 = vector.extract_strided_slice %min3A_176 {offsets = [0, 1], sizes = [32, 1], strides = [1, 1]} : vector<32x32xf32> to vector<32x1xf32>
      %add3A_179 = vector.broadcast %slice3A_178 : vector<32x1xf32> to vector<32x1024xf32>
      %add3A_180 = vector.broadcast %slice3A_177 : vector<1x1024xf32> to vector<32x1024xf32>
      %add3A_181 = arith.addf %add3A_179, %add3A_180 : vector<32x1024xf32>
      %min3A_182 = arith.minimumf %min3A_171, %add3A_181 : vector<32x1024xf32>
      %slice3A_183 = vector.extract_strided_slice %min3A_176 {offsets = [1, 0], sizes = [1, 32], strides = [1, 1]} : vector<32x32xf32> to vector<1x32xf32>
      %add3A_184 = vector.broadcast %slice3A_178 : vector<32x1xf32> to vector<32x32xf32>
      %add3A_185 = vector.broadcast %slice3A_183 : vector<1x32xf32> to vector<32x32xf32>
      %add3A_186 = arith.addf %add3A_184, %add3A_185 : vector<32x32xf32>
      %min3A_187 = arith.minimumf %min3A_176, %add3A_186 : vector<32x32xf32>
      %slice3A_188 = vector.extract_strided_slice %min3A_182 {offsets = [2, 0], sizes = [1, 1024], strides = [1, 1]} : vector<32x1024xf32> to vector<1x1024xf32>
      %slice3A_189 = vector.extract_strided_slice %min3A_187 {offsets = [0, 2], sizes = [32, 1], strides = [1, 1]} : vector<32x32xf32> to vector<32x1xf32>
      %add3A_190 = vector.broadcast %slice3A_189 : vector<32x1xf32> to vector<32x1024xf32>
      %add3A_191 = vector.broadcast %slice3A_188 : vector<1x1024xf32> to vector<32x1024xf32>
      %add3A_192 = arith.addf %add3A_190, %add3A_191 : vector<32x1024xf32>
      %min3A_193 = arith.minimumf %min3A_182, %add3A_192 : vector<32x1024xf32>
      %slice3A_194 = vector.extract_strided_slice %min3A_187 {offsets = [2, 0], sizes = [1, 32], strides = [1, 1]} : vector<32x32xf32> to vector<1x32xf32>
      %add3A_195 = vector.broadcast %slice3A_189 : vector<32x1xf32> to vector<32x32xf32>
      %add3A_196 = vector.broadcast %slice3A_194 : vector<1x32xf32> to vector<32x32xf32>
      %add3A_197 = arith.addf %add3A_195, %add3A_196 : vector<32x32xf32>
      %min3A_198 = arith.minimumf %min3A_187, %add3A_197 : vector<32x32xf32>
      %slice3A_199 = vector.extract_strided_slice %min3A_193 {offsets = [3, 0], sizes = [1, 1024], strides = [1, 1]} : vector<32x1024xf32> to vector<1x1024xf32>
      %slice3A_200 = vector.extract_strided_slice %min3A_198 {offsets = [0, 3], sizes = [32, 1], strides = [1, 1]} : vector<32x32xf32> to vector<32x1xf32>
      %add3A_201 = vector.broadcast %slice3A_200 : vector<32x1xf32> to vector<32x1024xf32>
      %add3A_202 = vector.broadcast %slice3A_199 : vector<1x1024xf32> to vector<32x1024xf32>
      %add3A_203 = arith.addf %add3A_201, %add3A_202 : vector<32x1024xf32>
      %min3A_204 = arith.minimumf %min3A_193, %add3A_203 : vector<32x1024xf32>
      %slice3A_205 = vector.extract_strided_slice %min3A_198 {offsets = [3, 0], sizes = [1, 32], strides = [1, 1]} : vector<32x32xf32> to vector<1x32xf32>
      %add3A_206 = vector.broadcast %slice3A_200 : vector<32x1xf32> to vector<32x32xf32>
      %add3A_207 = vector.broadcast %slice3A_205 : vector<1x32xf32> to vector<32x32xf32>
      %add3A_208 = arith.addf %add3A_206, %add3A_207 : vector<32x32xf32>
      %min3A_209 = arith.minimumf %min3A_198, %add3A_208 : vector<32x32xf32>
      %slice3A_210 = vector.extract_strided_slice %min3A_204 {offsets = [4, 0], sizes = [1, 1024], strides = [1, 1]} : vector<32x1024xf32> to vector<1x1024xf32>
      %slice3A_211 = vector.extract_strided_slice %min3A_209 {offsets = [0, 4], sizes = [32, 1], strides = [1, 1]} : vector<32x32xf32> to vector<32x1xf32>
      %add3A_212 = vector.broadcast %slice3A_211 : vector<32x1xf32> to vector<32x1024xf32>
      %add3A_213 = vector.broadcast %slice3A_210 : vector<1x1024xf32> to vector<32x1024xf32>
      %add3A_214 = arith.addf %add3A_212, %add3A_213 : vector<32x1024xf32>
      %min3A_215 = arith.minimumf %min3A_204, %add3A_214 : vector<32x1024xf32>
      %slice3A_216 = vector.extract_strided_slice %min3A_209 {offsets = [4, 0], sizes = [1, 32], strides = [1, 1]} : vector<32x32xf32> to vector<1x32xf32>
      %add3A_217 = vector.broadcast %slice3A_211 : vector<32x1xf32> to vector<32x32xf32>
      %add3A_218 = vector.broadcast %slice3A_216 : vector<1x32xf32> to vector<32x32xf32>
      %add3A_219 = arith.addf %add3A_217, %add3A_218 : vector<32x32xf32>
      %min3A_220 = arith.minimumf %min3A_209, %add3A_219 : vector<32x32xf32>
      %slice3A_221 = vector.extract_strided_slice %min3A_215 {offsets = [5, 0], sizes = [1, 1024], strides = [1, 1]} : vector<32x1024xf32> to vector<1x1024xf32>
      %slice3A_222 = vector.extract_strided_slice %min3A_220 {offsets = [0, 5], sizes = [32, 1], strides = [1, 1]} : vector<32x32xf32> to vector<32x1xf32>
      %add3A_223 = vector.broadcast %slice3A_222 : vector<32x1xf32> to vector<32x1024xf32>
      %add3A_224 = vector.broadcast %slice3A_221 : vector<1x1024xf32> to vector<32x1024xf32>
      %add3A_225 = arith.addf %add3A_223, %add3A_224 : vector<32x1024xf32>
      %min3A_226 = arith.minimumf %min3A_215, %add3A_225 : vector<32x1024xf32>
      %slice3A_227 = vector.extract_strided_slice %min3A_220 {offsets = [5, 0], sizes = [1, 32], strides = [1, 1]} : vector<32x32xf32> to vector<1x32xf32>
      %add3A_228 = vector.broadcast %slice3A_222 : vector<32x1xf32> to vector<32x32xf32>
      %add3A_229 = vector.broadcast %slice3A_227 : vector<1x32xf32> to vector<32x32xf32>
      %add3A_230 = arith.addf %add3A_228, %add3A_229 : vector<32x32xf32>
      %min3A_231 = arith.minimumf %min3A_220, %add3A_230 : vector<32x32xf32>
      %slice3A_232 = vector.extract_strided_slice %min3A_226 {offsets = [6, 0], sizes = [1, 1024], strides = [1, 1]} : vector<32x1024xf32> to vector<1x1024xf32>
      %slice3A_233 = vector.extract_strided_slice %min3A_231 {offsets = [0, 6], sizes = [32, 1], strides = [1, 1]} : vector<32x32xf32> to vector<32x1xf32>
      %add3A_234 = vector.broadcast %slice3A_233 : vector<32x1xf32> to vector<32x1024xf32>
      %add3A_235 = vector.broadcast %slice3A_232 : vector<1x1024xf32> to vector<32x1024xf32>
      %add3A_236 = arith.addf %add3A_234, %add3A_235 : vector<32x1024xf32>
      %min3A_237 = arith.minimumf %min3A_226, %add3A_236 : vector<32x1024xf32>
      %slice3A_238 = vector.extract_strided_slice %min3A_231 {offsets = [6, 0], sizes = [1, 32], strides = [1, 1]} : vector<32x32xf32> to vector<1x32xf32>
      %add3A_239 = vector.broadcast %slice3A_233 : vector<32x1xf32> to vector<32x32xf32>
      %add3A_240 = vector.broadcast %slice3A_238 : vector<1x32xf32> to vector<32x32xf32>
      %add3A_241 = arith.addf %add3A_239, %add3A_240 : vector<32x32xf32>
      %min3A_242 = arith.minimumf %min3A_231, %add3A_241 : vector<32x32xf32>
      %slice3A_243 = vector.extract_strided_slice %min3A_237 {offsets = [7, 0], sizes = [1, 1024], strides = [1, 1]} : vector<32x1024xf32> to vector<1x1024xf32>
      %slice3A_244 = vector.extract_strided_slice %min3A_242 {offsets = [0, 7], sizes = [32, 1], strides = [1, 1]} : vector<32x32xf32> to vector<32x1xf32>
      %add3A_245 = vector.broadcast %slice3A_244 : vector<32x1xf32> to vector<32x1024xf32>
      %add3A_246 = vector.broadcast %slice3A_243 : vector<1x1024xf32> to vector<32x1024xf32>
      %add3A_247 = arith.addf %add3A_245, %add3A_246 : vector<32x1024xf32>
      %min3A_248 = arith.minimumf %min3A_237, %add3A_247 : vector<32x1024xf32>
      %slice3A_249 = vector.extract_strided_slice %min3A_242 {offsets = [7, 0], sizes = [1, 32], strides = [1, 1]} : vector<32x32xf32> to vector<1x32xf32>
      %add3A_250 = vector.broadcast %slice3A_244 : vector<32x1xf32> to vector<32x32xf32>
      %add3A_251 = vector.broadcast %slice3A_249 : vector<1x32xf32> to vector<32x32xf32>
      %add3A_252 = arith.addf %add3A_250, %add3A_251 : vector<32x32xf32>
      %min3A_253 = arith.minimumf %min3A_242, %add3A_252 : vector<32x32xf32>
      %slice3A_254 = vector.extract_strided_slice %min3A_248 {offsets = [8, 0], sizes = [1, 1024], strides = [1, 1]} : vector<32x1024xf32> to vector<1x1024xf32>
      %slice3A_255 = vector.extract_strided_slice %min3A_253 {offsets = [0, 8], sizes = [32, 1], strides = [1, 1]} : vector<32x32xf32> to vector<32x1xf32>
      %add3A_256 = vector.broadcast %slice3A_255 : vector<32x1xf32> to vector<32x1024xf32>
      %add3A_257 = vector.broadcast %slice3A_254 : vector<1x1024xf32> to vector<32x1024xf32>
      %add3A_258 = arith.addf %add3A_256, %add3A_257 : vector<32x1024xf32>
      %min3A_259 = arith.minimumf %min3A_248, %add3A_258 : vector<32x1024xf32>
      %slice3A_260 = vector.extract_strided_slice %min3A_253 {offsets = [8, 0], sizes = [1, 32], strides = [1, 1]} : vector<32x32xf32> to vector<1x32xf32>
      %add3A_261 = vector.broadcast %slice3A_255 : vector<32x1xf32> to vector<32x32xf32>
      %add3A_262 = vector.broadcast %slice3A_260 : vector<1x32xf32> to vector<32x32xf32>
      %add3A_263 = arith.addf %add3A_261, %add3A_262 : vector<32x32xf32>
      %min3A_264 = arith.minimumf %min3A_253, %add3A_263 : vector<32x32xf32>
      %slice3A_265 = vector.extract_strided_slice %min3A_259 {offsets = [9, 0], sizes = [1, 1024], strides = [1, 1]} : vector<32x1024xf32> to vector<1x1024xf32>
      %slice3A_266 = vector.extract_strided_slice %min3A_264 {offsets = [0, 9], sizes = [32, 1], strides = [1, 1]} : vector<32x32xf32> to vector<32x1xf32>
      %add3A_267 = vector.broadcast %slice3A_266 : vector<32x1xf32> to vector<32x1024xf32>
      %add3A_268 = vector.broadcast %slice3A_265 : vector<1x1024xf32> to vector<32x1024xf32>
      %add3A_269 = arith.addf %add3A_267, %add3A_268 : vector<32x1024xf32>
      %min3A_270 = arith.minimumf %min3A_259, %add3A_269 : vector<32x1024xf32>
      %slice3A_271 = vector.extract_strided_slice %min3A_264 {offsets = [9, 0], sizes = [1, 32], strides = [1, 1]} : vector<32x32xf32> to vector<1x32xf32>
      %add3A_272 = vector.broadcast %slice3A_266 : vector<32x1xf32> to vector<32x32xf32>
      %add3A_273 = vector.broadcast %slice3A_271 : vector<1x32xf32> to vector<32x32xf32>
      %add3A_274 = arith.addf %add3A_272, %add3A_273 : vector<32x32xf32>
      %min3A_275 = arith.minimumf %min3A_264, %add3A_274 : vector<32x32xf32>
      %slice3A_276 = vector.extract_strided_slice %min3A_270 {offsets = [10, 0], sizes = [1, 1024], strides = [1, 1]} : vector<32x1024xf32> to vector<1x1024xf32>
      %slice3A_277 = vector.extract_strided_slice %min3A_275 {offsets = [0, 10], sizes = [32, 1], strides = [1, 1]} : vector<32x32xf32> to vector<32x1xf32>
      %add3A_278 = vector.broadcast %slice3A_277 : vector<32x1xf32> to vector<32x1024xf32>
      %add3A_279 = vector.broadcast %slice3A_276 : vector<1x1024xf32> to vector<32x1024xf32>
      %add3A_280 = arith.addf %add3A_278, %add3A_279 : vector<32x1024xf32>
      %min3A_281 = arith.minimumf %min3A_270, %add3A_280 : vector<32x1024xf32>
      %slice3A_282 = vector.extract_strided_slice %min3A_275 {offsets = [10, 0], sizes = [1, 32], strides = [1, 1]} : vector<32x32xf32> to vector<1x32xf32>
      %add3A_283 = vector.broadcast %slice3A_277 : vector<32x1xf32> to vector<32x32xf32>
      %add3A_284 = vector.broadcast %slice3A_282 : vector<1x32xf32> to vector<32x32xf32>
      %add3A_285 = arith.addf %add3A_283, %add3A_284 : vector<32x32xf32>
      %min3A_286 = arith.minimumf %min3A_275, %add3A_285 : vector<32x32xf32>
      %slice3A_287 = vector.extract_strided_slice %min3A_281 {offsets = [11, 0], sizes = [1, 1024], strides = [1, 1]} : vector<32x1024xf32> to vector<1x1024xf32>
      %slice3A_288 = vector.extract_strided_slice %min3A_286 {offsets = [0, 11], sizes = [32, 1], strides = [1, 1]} : vector<32x32xf32> to vector<32x1xf32>
      %add3A_289 = vector.broadcast %slice3A_288 : vector<32x1xf32> to vector<32x1024xf32>
      %add3A_290 = vector.broadcast %slice3A_287 : vector<1x1024xf32> to vector<32x1024xf32>
      %add3A_291 = arith.addf %add3A_289, %add3A_290 : vector<32x1024xf32>
      %min3A_292 = arith.minimumf %min3A_281, %add3A_291 : vector<32x1024xf32>
      %slice3A_293 = vector.extract_strided_slice %min3A_286 {offsets = [11, 0], sizes = [1, 32], strides = [1, 1]} : vector<32x32xf32> to vector<1x32xf32>
      %add3A_294 = vector.broadcast %slice3A_288 : vector<32x1xf32> to vector<32x32xf32>
      %add3A_295 = vector.broadcast %slice3A_293 : vector<1x32xf32> to vector<32x32xf32>
      %add3A_296 = arith.addf %add3A_294, %add3A_295 : vector<32x32xf32>
      %min3A_297 = arith.minimumf %min3A_286, %add3A_296 : vector<32x32xf32>
      %slice3A_298 = vector.extract_strided_slice %min3A_292 {offsets = [12, 0], sizes = [1, 1024], strides = [1, 1]} : vector<32x1024xf32> to vector<1x1024xf32>
      %slice3A_299 = vector.extract_strided_slice %min3A_297 {offsets = [0, 12], sizes = [32, 1], strides = [1, 1]} : vector<32x32xf32> to vector<32x1xf32>
      %add3A_300 = vector.broadcast %slice3A_299 : vector<32x1xf32> to vector<32x1024xf32>
      %add3A_301 = vector.broadcast %slice3A_298 : vector<1x1024xf32> to vector<32x1024xf32>
      %add3A_302 = arith.addf %add3A_300, %add3A_301 : vector<32x1024xf32>
      %min3A_303 = arith.minimumf %min3A_292, %add3A_302 : vector<32x1024xf32>
      %slice3A_304 = vector.extract_strided_slice %min3A_297 {offsets = [12, 0], sizes = [1, 32], strides = [1, 1]} : vector<32x32xf32> to vector<1x32xf32>
      %add3A_305 = vector.broadcast %slice3A_299 : vector<32x1xf32> to vector<32x32xf32>
      %add3A_306 = vector.broadcast %slice3A_304 : vector<1x32xf32> to vector<32x32xf32>
      %add3A_307 = arith.addf %add3A_305, %add3A_306 : vector<32x32xf32>
      %min3A_308 = arith.minimumf %min3A_297, %add3A_307 : vector<32x32xf32>
      %slice3A_309 = vector.extract_strided_slice %min3A_303 {offsets = [13, 0], sizes = [1, 1024], strides = [1, 1]} : vector<32x1024xf32> to vector<1x1024xf32>
      %slice3A_310 = vector.extract_strided_slice %min3A_308 {offsets = [0, 13], sizes = [32, 1], strides = [1, 1]} : vector<32x32xf32> to vector<32x1xf32>
      %add3A_311 = vector.broadcast %slice3A_310 : vector<32x1xf32> to vector<32x1024xf32>
      %add3A_312 = vector.broadcast %slice3A_309 : vector<1x1024xf32> to vector<32x1024xf32>
      %add3A_313 = arith.addf %add3A_311, %add3A_312 : vector<32x1024xf32>
      %min3A_314 = arith.minimumf %min3A_303, %add3A_313 : vector<32x1024xf32>
      %slice3A_315 = vector.extract_strided_slice %min3A_308 {offsets = [13, 0], sizes = [1, 32], strides = [1, 1]} : vector<32x32xf32> to vector<1x32xf32>
      %add3A_316 = vector.broadcast %slice3A_310 : vector<32x1xf32> to vector<32x32xf32>
      %add3A_317 = vector.broadcast %slice3A_315 : vector<1x32xf32> to vector<32x32xf32>
      %add3A_318 = arith.addf %add3A_316, %add3A_317 : vector<32x32xf32>
      %min3A_319 = arith.minimumf %min3A_308, %add3A_318 : vector<32x32xf32>
      %slice3A_320 = vector.extract_strided_slice %min3A_314 {offsets = [14, 0], sizes = [1, 1024], strides = [1, 1]} : vector<32x1024xf32> to vector<1x1024xf32>
      %slice3A_321 = vector.extract_strided_slice %min3A_319 {offsets = [0, 14], sizes = [32, 1], strides = [1, 1]} : vector<32x32xf32> to vector<32x1xf32>
      %add3A_322 = vector.broadcast %slice3A_321 : vector<32x1xf32> to vector<32x1024xf32>
      %add3A_323 = vector.broadcast %slice3A_320 : vector<1x1024xf32> to vector<32x1024xf32>
      %add3A_324 = arith.addf %add3A_322, %add3A_323 : vector<32x1024xf32>
      %min3A_325 = arith.minimumf %min3A_314, %add3A_324 : vector<32x1024xf32>
      %slice3A_326 = vector.extract_strided_slice %min3A_319 {offsets = [14, 0], sizes = [1, 32], strides = [1, 1]} : vector<32x32xf32> to vector<1x32xf32>
      %add3A_327 = vector.broadcast %slice3A_321 : vector<32x1xf32> to vector<32x32xf32>
      %add3A_328 = vector.broadcast %slice3A_326 : vector<1x32xf32> to vector<32x32xf32>
      %add3A_329 = arith.addf %add3A_327, %add3A_328 : vector<32x32xf32>
      %min3A_330 = arith.minimumf %min3A_319, %add3A_329 : vector<32x32xf32>
      %slice3A_331 = vector.extract_strided_slice %min3A_325 {offsets = [15, 0], sizes = [1, 1024], strides = [1, 1]} : vector<32x1024xf32> to vector<1x1024xf32>
      %slice3A_332 = vector.extract_strided_slice %min3A_330 {offsets = [0, 15], sizes = [32, 1], strides = [1, 1]} : vector<32x32xf32> to vector<32x1xf32>
      %add3A_333 = vector.broadcast %slice3A_332 : vector<32x1xf32> to vector<32x1024xf32>
      %add3A_334 = vector.broadcast %slice3A_331 : vector<1x1024xf32> to vector<32x1024xf32>
      %add3A_335 = arith.addf %add3A_333, %add3A_334 : vector<32x1024xf32>
      %min3A_336 = arith.minimumf %min3A_325, %add3A_335 : vector<32x1024xf32>
      %slice3A_337 = vector.extract_strided_slice %min3A_330 {offsets = [15, 0], sizes = [1, 32], strides = [1, 1]} : vector<32x32xf32> to vector<1x32xf32>
      %add3A_338 = vector.broadcast %slice3A_332 : vector<32x1xf32> to vector<32x32xf32>
      %add3A_339 = vector.broadcast %slice3A_337 : vector<1x32xf32> to vector<32x32xf32>
      %add3A_340 = arith.addf %add3A_338, %add3A_339 : vector<32x32xf32>
      %min3A_341 = arith.minimumf %min3A_330, %add3A_340 : vector<32x32xf32>
      %slice3A_342 = vector.extract_strided_slice %min3A_336 {offsets = [16, 0], sizes = [1, 1024], strides = [1, 1]} : vector<32x1024xf32> to vector<1x1024xf32>
      %slice3A_343 = vector.extract_strided_slice %min3A_341 {offsets = [0, 16], sizes = [32, 1], strides = [1, 1]} : vector<32x32xf32> to vector<32x1xf32>
      %add3A_344 = vector.broadcast %slice3A_343 : vector<32x1xf32> to vector<32x1024xf32>
      %add3A_345 = vector.broadcast %slice3A_342 : vector<1x1024xf32> to vector<32x1024xf32>
      %add3A_346 = arith.addf %add3A_344, %add3A_345 : vector<32x1024xf32>
      %min3A_347 = arith.minimumf %min3A_336, %add3A_346 : vector<32x1024xf32>
      %slice3A_348 = vector.extract_strided_slice %min3A_341 {offsets = [16, 0], sizes = [1, 32], strides = [1, 1]} : vector<32x32xf32> to vector<1x32xf32>
      %add3A_349 = vector.broadcast %slice3A_343 : vector<32x1xf32> to vector<32x32xf32>
      %add3A_350 = vector.broadcast %slice3A_348 : vector<1x32xf32> to vector<32x32xf32>
      %add3A_351 = arith.addf %add3A_349, %add3A_350 : vector<32x32xf32>
      %min3A_352 = arith.minimumf %min3A_341, %add3A_351 : vector<32x32xf32>
      %slice3A_353 = vector.extract_strided_slice %min3A_347 {offsets = [17, 0], sizes = [1, 1024], strides = [1, 1]} : vector<32x1024xf32> to vector<1x1024xf32>
      %slice3A_354 = vector.extract_strided_slice %min3A_352 {offsets = [0, 17], sizes = [32, 1], strides = [1, 1]} : vector<32x32xf32> to vector<32x1xf32>
      %add3A_355 = vector.broadcast %slice3A_354 : vector<32x1xf32> to vector<32x1024xf32>
      %add3A_356 = vector.broadcast %slice3A_353 : vector<1x1024xf32> to vector<32x1024xf32>
      %add3A_357 = arith.addf %add3A_355, %add3A_356 : vector<32x1024xf32>
      %min3A_358 = arith.minimumf %min3A_347, %add3A_357 : vector<32x1024xf32>
      %slice3A_359 = vector.extract_strided_slice %min3A_352 {offsets = [17, 0], sizes = [1, 32], strides = [1, 1]} : vector<32x32xf32> to vector<1x32xf32>
      %add3A_360 = vector.broadcast %slice3A_354 : vector<32x1xf32> to vector<32x32xf32>
      %add3A_361 = vector.broadcast %slice3A_359 : vector<1x32xf32> to vector<32x32xf32>
      %add3A_362 = arith.addf %add3A_360, %add3A_361 : vector<32x32xf32>
      %min3A_363 = arith.minimumf %min3A_352, %add3A_362 : vector<32x32xf32>
      %slice3A_364 = vector.extract_strided_slice %min3A_358 {offsets = [18, 0], sizes = [1, 1024], strides = [1, 1]} : vector<32x1024xf32> to vector<1x1024xf32>
      %slice3A_365 = vector.extract_strided_slice %min3A_363 {offsets = [0, 18], sizes = [32, 1], strides = [1, 1]} : vector<32x32xf32> to vector<32x1xf32>
      %add3A_366 = vector.broadcast %slice3A_365 : vector<32x1xf32> to vector<32x1024xf32>
      %add3A_367 = vector.broadcast %slice3A_364 : vector<1x1024xf32> to vector<32x1024xf32>
      %add3A_368 = arith.addf %add3A_366, %add3A_367 : vector<32x1024xf32>
      %min3A_369 = arith.minimumf %min3A_358, %add3A_368 : vector<32x1024xf32>
      %slice3A_370 = vector.extract_strided_slice %min3A_363 {offsets = [18, 0], sizes = [1, 32], strides = [1, 1]} : vector<32x32xf32> to vector<1x32xf32>
      %add3A_371 = vector.broadcast %slice3A_365 : vector<32x1xf32> to vector<32x32xf32>
      %add3A_372 = vector.broadcast %slice3A_370 : vector<1x32xf32> to vector<32x32xf32>
      %add3A_373 = arith.addf %add3A_371, %add3A_372 : vector<32x32xf32>
      %min3A_374 = arith.minimumf %min3A_363, %add3A_373 : vector<32x32xf32>
      %slice3A_375 = vector.extract_strided_slice %min3A_369 {offsets = [19, 0], sizes = [1, 1024], strides = [1, 1]} : vector<32x1024xf32> to vector<1x1024xf32>
      %slice3A_376 = vector.extract_strided_slice %min3A_374 {offsets = [0, 19], sizes = [32, 1], strides = [1, 1]} : vector<32x32xf32> to vector<32x1xf32>
      %add3A_377 = vector.broadcast %slice3A_376 : vector<32x1xf32> to vector<32x1024xf32>
      %add3A_378 = vector.broadcast %slice3A_375 : vector<1x1024xf32> to vector<32x1024xf32>
      %add3A_379 = arith.addf %add3A_377, %add3A_378 : vector<32x1024xf32>
      %min3A_380 = arith.minimumf %min3A_369, %add3A_379 : vector<32x1024xf32>
      %slice3A_381 = vector.extract_strided_slice %min3A_374 {offsets = [19, 0], sizes = [1, 32], strides = [1, 1]} : vector<32x32xf32> to vector<1x32xf32>
      %add3A_382 = vector.broadcast %slice3A_376 : vector<32x1xf32> to vector<32x32xf32>
      %add3A_383 = vector.broadcast %slice3A_381 : vector<1x32xf32> to vector<32x32xf32>
      %add3A_384 = arith.addf %add3A_382, %add3A_383 : vector<32x32xf32>
      %min3A_385 = arith.minimumf %min3A_374, %add3A_384 : vector<32x32xf32>
      %slice3A_386 = vector.extract_strided_slice %min3A_380 {offsets = [20, 0], sizes = [1, 1024], strides = [1, 1]} : vector<32x1024xf32> to vector<1x1024xf32>
      %slice3A_387 = vector.extract_strided_slice %min3A_385 {offsets = [0, 20], sizes = [32, 1], strides = [1, 1]} : vector<32x32xf32> to vector<32x1xf32>
      %add3A_388 = vector.broadcast %slice3A_387 : vector<32x1xf32> to vector<32x1024xf32>
      %add3A_389 = vector.broadcast %slice3A_386 : vector<1x1024xf32> to vector<32x1024xf32>
      %add3A_390 = arith.addf %add3A_388, %add3A_389 : vector<32x1024xf32>
      %min3A_391 = arith.minimumf %min3A_380, %add3A_390 : vector<32x1024xf32>
      %slice3A_392 = vector.extract_strided_slice %min3A_385 {offsets = [20, 0], sizes = [1, 32], strides = [1, 1]} : vector<32x32xf32> to vector<1x32xf32>
      %add3A_393 = vector.broadcast %slice3A_387 : vector<32x1xf32> to vector<32x32xf32>
      %add3A_394 = vector.broadcast %slice3A_392 : vector<1x32xf32> to vector<32x32xf32>
      %add3A_395 = arith.addf %add3A_393, %add3A_394 : vector<32x32xf32>
      %min3A_396 = arith.minimumf %min3A_385, %add3A_395 : vector<32x32xf32>
      %slice3A_397 = vector.extract_strided_slice %min3A_391 {offsets = [21, 0], sizes = [1, 1024], strides = [1, 1]} : vector<32x1024xf32> to vector<1x1024xf32>
      %slice3A_398 = vector.extract_strided_slice %min3A_396 {offsets = [0, 21], sizes = [32, 1], strides = [1, 1]} : vector<32x32xf32> to vector<32x1xf32>
      %add3A_399 = vector.broadcast %slice3A_398 : vector<32x1xf32> to vector<32x1024xf32>
      %add3A_400 = vector.broadcast %slice3A_397 : vector<1x1024xf32> to vector<32x1024xf32>
      %add3A_401 = arith.addf %add3A_399, %add3A_400 : vector<32x1024xf32>
      %min3A_402 = arith.minimumf %min3A_391, %add3A_401 : vector<32x1024xf32>
      %slice3A_403 = vector.extract_strided_slice %min3A_396 {offsets = [21, 0], sizes = [1, 32], strides = [1, 1]} : vector<32x32xf32> to vector<1x32xf32>
      %add3A_404 = vector.broadcast %slice3A_398 : vector<32x1xf32> to vector<32x32xf32>
      %add3A_405 = vector.broadcast %slice3A_403 : vector<1x32xf32> to vector<32x32xf32>
      %add3A_406 = arith.addf %add3A_404, %add3A_405 : vector<32x32xf32>
      %min3A_407 = arith.minimumf %min3A_396, %add3A_406 : vector<32x32xf32>
      %slice3A_408 = vector.extract_strided_slice %min3A_402 {offsets = [22, 0], sizes = [1, 1024], strides = [1, 1]} : vector<32x1024xf32> to vector<1x1024xf32>
      %slice3A_409 = vector.extract_strided_slice %min3A_407 {offsets = [0, 22], sizes = [32, 1], strides = [1, 1]} : vector<32x32xf32> to vector<32x1xf32>
      %add3A_410 = vector.broadcast %slice3A_409 : vector<32x1xf32> to vector<32x1024xf32>
      %add3A_411 = vector.broadcast %slice3A_408 : vector<1x1024xf32> to vector<32x1024xf32>
      %add3A_412 = arith.addf %add3A_410, %add3A_411 : vector<32x1024xf32>
      %min3A_413 = arith.minimumf %min3A_402, %add3A_412 : vector<32x1024xf32>
      %slice3A_414 = vector.extract_strided_slice %min3A_407 {offsets = [22, 0], sizes = [1, 32], strides = [1, 1]} : vector<32x32xf32> to vector<1x32xf32>
      %add3A_415 = vector.broadcast %slice3A_409 : vector<32x1xf32> to vector<32x32xf32>
      %add3A_416 = vector.broadcast %slice3A_414 : vector<1x32xf32> to vector<32x32xf32>
      %add3A_417 = arith.addf %add3A_415, %add3A_416 : vector<32x32xf32>
      %min3A_418 = arith.minimumf %min3A_407, %add3A_417 : vector<32x32xf32>
      %slice3A_419 = vector.extract_strided_slice %min3A_413 {offsets = [23, 0], sizes = [1, 1024], strides = [1, 1]} : vector<32x1024xf32> to vector<1x1024xf32>
      %slice3A_420 = vector.extract_strided_slice %min3A_418 {offsets = [0, 23], sizes = [32, 1], strides = [1, 1]} : vector<32x32xf32> to vector<32x1xf32>
      %add3A_421 = vector.broadcast %slice3A_420 : vector<32x1xf32> to vector<32x1024xf32>
      %add3A_422 = vector.broadcast %slice3A_419 : vector<1x1024xf32> to vector<32x1024xf32>
      %add3A_423 = arith.addf %add3A_421, %add3A_422 : vector<32x1024xf32>
      %min3A_424 = arith.minimumf %min3A_413, %add3A_423 : vector<32x1024xf32>
      %slice3A_425 = vector.extract_strided_slice %min3A_418 {offsets = [23, 0], sizes = [1, 32], strides = [1, 1]} : vector<32x32xf32> to vector<1x32xf32>
      %add3A_426 = vector.broadcast %slice3A_420 : vector<32x1xf32> to vector<32x32xf32>
      %add3A_427 = vector.broadcast %slice3A_425 : vector<1x32xf32> to vector<32x32xf32>
      %add3A_428 = arith.addf %add3A_426, %add3A_427 : vector<32x32xf32>
      %min3A_429 = arith.minimumf %min3A_418, %add3A_428 : vector<32x32xf32>
      %slice3A_430 = vector.extract_strided_slice %min3A_424 {offsets = [24, 0], sizes = [1, 1024], strides = [1, 1]} : vector<32x1024xf32> to vector<1x1024xf32>
      %slice3A_431 = vector.extract_strided_slice %min3A_429 {offsets = [0, 24], sizes = [32, 1], strides = [1, 1]} : vector<32x32xf32> to vector<32x1xf32>
      %add3A_432 = vector.broadcast %slice3A_431 : vector<32x1xf32> to vector<32x1024xf32>
      %add3A_433 = vector.broadcast %slice3A_430 : vector<1x1024xf32> to vector<32x1024xf32>
      %add3A_434 = arith.addf %add3A_432, %add3A_433 : vector<32x1024xf32>
      %min3A_435 = arith.minimumf %min3A_424, %add3A_434 : vector<32x1024xf32>
      %slice3A_436 = vector.extract_strided_slice %min3A_429 {offsets = [24, 0], sizes = [1, 32], strides = [1, 1]} : vector<32x32xf32> to vector<1x32xf32>
      %add3A_437 = vector.broadcast %slice3A_431 : vector<32x1xf32> to vector<32x32xf32>
      %add3A_438 = vector.broadcast %slice3A_436 : vector<1x32xf32> to vector<32x32xf32>
      %add3A_439 = arith.addf %add3A_437, %add3A_438 : vector<32x32xf32>
      %min3A_440 = arith.minimumf %min3A_429, %add3A_439 : vector<32x32xf32>
      %slice3A_441 = vector.extract_strided_slice %min3A_435 {offsets = [25, 0], sizes = [1, 1024], strides = [1, 1]} : vector<32x1024xf32> to vector<1x1024xf32>
      %slice3A_442 = vector.extract_strided_slice %min3A_440 {offsets = [0, 25], sizes = [32, 1], strides = [1, 1]} : vector<32x32xf32> to vector<32x1xf32>
      %add3A_443 = vector.broadcast %slice3A_442 : vector<32x1xf32> to vector<32x1024xf32>
      %add3A_444 = vector.broadcast %slice3A_441 : vector<1x1024xf32> to vector<32x1024xf32>
      %add3A_445 = arith.addf %add3A_443, %add3A_444 : vector<32x1024xf32>
      %min3A_446 = arith.minimumf %min3A_435, %add3A_445 : vector<32x1024xf32>
      %slice3A_447 = vector.extract_strided_slice %min3A_440 {offsets = [25, 0], sizes = [1, 32], strides = [1, 1]} : vector<32x32xf32> to vector<1x32xf32>
      %add3A_448 = vector.broadcast %slice3A_442 : vector<32x1xf32> to vector<32x32xf32>
      %add3A_449 = vector.broadcast %slice3A_447 : vector<1x32xf32> to vector<32x32xf32>
      %add3A_450 = arith.addf %add3A_448, %add3A_449 : vector<32x32xf32>
      %min3A_451 = arith.minimumf %min3A_440, %add3A_450 : vector<32x32xf32>
      %slice3A_452 = vector.extract_strided_slice %min3A_446 {offsets = [26, 0], sizes = [1, 1024], strides = [1, 1]} : vector<32x1024xf32> to vector<1x1024xf32>
      %slice3A_453 = vector.extract_strided_slice %min3A_451 {offsets = [0, 26], sizes = [32, 1], strides = [1, 1]} : vector<32x32xf32> to vector<32x1xf32>
      %add3A_454 = vector.broadcast %slice3A_453 : vector<32x1xf32> to vector<32x1024xf32>
      %add3A_455 = vector.broadcast %slice3A_452 : vector<1x1024xf32> to vector<32x1024xf32>
      %add3A_456 = arith.addf %add3A_454, %add3A_455 : vector<32x1024xf32>
      %min3A_457 = arith.minimumf %min3A_446, %add3A_456 : vector<32x1024xf32>
      %slice3A_458 = vector.extract_strided_slice %min3A_451 {offsets = [26, 0], sizes = [1, 32], strides = [1, 1]} : vector<32x32xf32> to vector<1x32xf32>
      %add3A_459 = vector.broadcast %slice3A_453 : vector<32x1xf32> to vector<32x32xf32>
      %add3A_460 = vector.broadcast %slice3A_458 : vector<1x32xf32> to vector<32x32xf32>
      %add3A_461 = arith.addf %add3A_459, %add3A_460 : vector<32x32xf32>
      %min3A_462 = arith.minimumf %min3A_451, %add3A_461 : vector<32x32xf32>
      %slice3A_463 = vector.extract_strided_slice %min3A_457 {offsets = [27, 0], sizes = [1, 1024], strides = [1, 1]} : vector<32x1024xf32> to vector<1x1024xf32>
      %slice3A_464 = vector.extract_strided_slice %min3A_462 {offsets = [0, 27], sizes = [32, 1], strides = [1, 1]} : vector<32x32xf32> to vector<32x1xf32>
      %add3A_465 = vector.broadcast %slice3A_464 : vector<32x1xf32> to vector<32x1024xf32>
      %add3A_466 = vector.broadcast %slice3A_463 : vector<1x1024xf32> to vector<32x1024xf32>
      %add3A_467 = arith.addf %add3A_465, %add3A_466 : vector<32x1024xf32>
      %min3A_468 = arith.minimumf %min3A_457, %add3A_467 : vector<32x1024xf32>
      %slice3A_469 = vector.extract_strided_slice %min3A_462 {offsets = [27, 0], sizes = [1, 32], strides = [1, 1]} : vector<32x32xf32> to vector<1x32xf32>
      %add3A_470 = vector.broadcast %slice3A_464 : vector<32x1xf32> to vector<32x32xf32>
      %add3A_471 = vector.broadcast %slice3A_469 : vector<1x32xf32> to vector<32x32xf32>
      %add3A_472 = arith.addf %add3A_470, %add3A_471 : vector<32x32xf32>
      %min3A_473 = arith.minimumf %min3A_462, %add3A_472 : vector<32x32xf32>
      %slice3A_474 = vector.extract_strided_slice %min3A_468 {offsets = [28, 0], sizes = [1, 1024], strides = [1, 1]} : vector<32x1024xf32> to vector<1x1024xf32>
      %slice3A_475 = vector.extract_strided_slice %min3A_473 {offsets = [0, 28], sizes = [32, 1], strides = [1, 1]} : vector<32x32xf32> to vector<32x1xf32>
      %add3A_476 = vector.broadcast %slice3A_475 : vector<32x1xf32> to vector<32x1024xf32>
      %add3A_477 = vector.broadcast %slice3A_474 : vector<1x1024xf32> to vector<32x1024xf32>
      %add3A_478 = arith.addf %add3A_476, %add3A_477 : vector<32x1024xf32>
      %min3A_479 = arith.minimumf %min3A_468, %add3A_478 : vector<32x1024xf32>
      %slice3A_480 = vector.extract_strided_slice %min3A_473 {offsets = [28, 0], sizes = [1, 32], strides = [1, 1]} : vector<32x32xf32> to vector<1x32xf32>
      %add3A_481 = vector.broadcast %slice3A_475 : vector<32x1xf32> to vector<32x32xf32>
      %add3A_482 = vector.broadcast %slice3A_480 : vector<1x32xf32> to vector<32x32xf32>
      %add3A_483 = arith.addf %add3A_481, %add3A_482 : vector<32x32xf32>
      %min3A_484 = arith.minimumf %min3A_473, %add3A_483 : vector<32x32xf32>
      %slice3A_485 = vector.extract_strided_slice %min3A_479 {offsets = [29, 0], sizes = [1, 1024], strides = [1, 1]} : vector<32x1024xf32> to vector<1x1024xf32>
      %slice3A_486 = vector.extract_strided_slice %min3A_484 {offsets = [0, 29], sizes = [32, 1], strides = [1, 1]} : vector<32x32xf32> to vector<32x1xf32>
      %add3A_487 = vector.broadcast %slice3A_486 : vector<32x1xf32> to vector<32x1024xf32>
      %add3A_488 = vector.broadcast %slice3A_485 : vector<1x1024xf32> to vector<32x1024xf32>
      %add3A_489 = arith.addf %add3A_487, %add3A_488 : vector<32x1024xf32>
      %min3A_490 = arith.minimumf %min3A_479, %add3A_489 : vector<32x1024xf32>
      %slice3A_491 = vector.extract_strided_slice %min3A_484 {offsets = [29, 0], sizes = [1, 32], strides = [1, 1]} : vector<32x32xf32> to vector<1x32xf32>
      %add3A_492 = vector.broadcast %slice3A_486 : vector<32x1xf32> to vector<32x32xf32>
      %add3A_493 = vector.broadcast %slice3A_491 : vector<1x32xf32> to vector<32x32xf32>
      %add3A_494 = arith.addf %add3A_492, %add3A_493 : vector<32x32xf32>
      %min3A_495 = arith.minimumf %min3A_484, %add3A_494 : vector<32x32xf32>
      %slice3A_496 = vector.extract_strided_slice %min3A_490 {offsets = [30, 0], sizes = [1, 1024], strides = [1, 1]} : vector<32x1024xf32> to vector<1x1024xf32>
      %slice3A_497 = vector.extract_strided_slice %min3A_495 {offsets = [0, 30], sizes = [32, 1], strides = [1, 1]} : vector<32x32xf32> to vector<32x1xf32>
      %add3A_498 = vector.broadcast %slice3A_497 : vector<32x1xf32> to vector<32x1024xf32>
      %add3A_499 = vector.broadcast %slice3A_496 : vector<1x1024xf32> to vector<32x1024xf32>
      %add3A_500 = arith.addf %add3A_498, %add3A_499 : vector<32x1024xf32>
      %min3A_501 = arith.minimumf %min3A_490, %add3A_500 : vector<32x1024xf32>
      %slice3A_502 = vector.extract_strided_slice %min3A_501 {offsets = [31, 0], sizes = [1, 1024], strides = [1, 1]} : vector<32x1024xf32> to vector<1x1024xf32>
      %concatenate3A = tpu.concatenate %slice3A_167, %slice3A_177, %slice3A_188, %slice3A_199, %slice3A_210, %slice3A_221, %slice3A_232, %slice3A_243, %slice3A_254, %slice3A_265, %slice3A_276, %slice3A_287, %slice3A_298, %slice3A_309, %slice3A_320, %slice3A_331, %slice3A_342, %slice3A_353, %slice3A_364, %slice3A_375, %slice3A_386, %slice3A_397, %slice3A_408, %slice3A_419, %slice3A_430, %slice3A_441, %slice3A_452, %slice3A_463, %slice3A_474, %slice3A_485, %slice3A_496, %slice3A_502 in 0 : vector<1x1024xf32>, vector<1x1024xf32>, vector<1x1024xf32>, vector<1x1024xf32>, vector<1x1024xf32>, vector<1x1024xf32>, vector<1x1024xf32>, vector<1x1024xf32>, vector<1x1024xf32>, vector<1x1024xf32>, vector<1x1024xf32>, vector<1x1024xf32>, vector<1x1024xf32>, vector<1x1024xf32>, vector<1x1024xf32>, vector<1x1024xf32>, vector<1x1024xf32>, vector<1x1024xf32>, vector<1x1024xf32>, vector<1x1024xf32>, vector<1x1024xf32>, vector<1x1024xf32>, vector<1x1024xf32>, vector<1x1024xf32>, vector<1x1024xf32>, vector<1x1024xf32>, vector<1x1024xf32>, vector<1x1024xf32>, vector<1x1024xf32>, vector<1x1024xf32>, vector<1x1024xf32>, vector<1x1024xf32> -> vector<32x1024xf32>
      %transpose3A_503 = tpu.transpose %concatenate3A, [1, 0] : vector<32x1024xf32> -> vector<1024x32xf32>
      %slice3A_504 = vector.extract_strided_slice %transpose3A_503 {offsets = [0, 0], sizes = [1024, 1], strides = [1, 1]} : vector<1024x32xf32> to vector<1024x1xf32>
      %slice3A_505 = vector.extract_strided_slice %concatenate3A {offsets = [0, 0], sizes = [1, 1024], strides = [1, 1]} : vector<32x1024xf32> to vector<1x1024xf32>
      %add3A_506 = vector.broadcast %slice3A_504 : vector<1024x1xf32> to vector<1024x1024xf32>
      %add3A_507 = vector.broadcast %slice3A_505 : vector<1x1024xf32> to vector<1024x1024xf32>
      %add3A_508 = arith.addf %add3A_506, %add3A_507 : vector<1024x1024xf32>
      %slice3A_509 = vector.extract_strided_slice %transpose3A_503 {offsets = [0, 1], sizes = [1024, 1], strides = [1, 1]} : vector<1024x32xf32> to vector<1024x1xf32>
      %slice3A_510 = vector.extract_strided_slice %concatenate3A {offsets = [1, 0], sizes = [1, 1024], strides = [1, 1]} : vector<32x1024xf32> to vector<1x1024xf32>
      %add3A_511 = vector.broadcast %slice3A_509 : vector<1024x1xf32> to vector<1024x1024xf32>
      %add3A_512 = vector.broadcast %slice3A_510 : vector<1x1024xf32> to vector<1024x1024xf32>
      %add3A_513 = arith.addf %add3A_511, %add3A_512 : vector<1024x1024xf32>
      %min3A_514 = arith.minimumf %add3A_508, %add3A_513 : vector<1024x1024xf32>
      %slice3A_515 = vector.extract_strided_slice %transpose3A_503 {offsets = [0, 2], sizes = [1024, 1], strides = [1, 1]} : vector<1024x32xf32> to vector<1024x1xf32>
      %slice3A_516 = vector.extract_strided_slice %concatenate3A {offsets = [2, 0], sizes = [1, 1024], strides = [1, 1]} : vector<32x1024xf32> to vector<1x1024xf32>
      %add3A_517 = vector.broadcast %slice3A_515 : vector<1024x1xf32> to vector<1024x1024xf32>
      %add3A_518 = vector.broadcast %slice3A_516 : vector<1x1024xf32> to vector<1024x1024xf32>
      %add3A_519 = arith.addf %add3A_517, %add3A_518 : vector<1024x1024xf32>
      %min3A_520 = arith.minimumf %min3A_514, %add3A_519 : vector<1024x1024xf32>
      %slice3A_521 = vector.extract_strided_slice %transpose3A_503 {offsets = [0, 3], sizes = [1024, 1], strides = [1, 1]} : vector<1024x32xf32> to vector<1024x1xf32>
      %slice3A_522 = vector.extract_strided_slice %concatenate3A {offsets = [3, 0], sizes = [1, 1024], strides = [1, 1]} : vector<32x1024xf32> to vector<1x1024xf32>
      %add3A_523 = vector.broadcast %slice3A_521 : vector<1024x1xf32> to vector<1024x1024xf32>
      %add3A_524 = vector.broadcast %slice3A_522 : vector<1x1024xf32> to vector<1024x1024xf32>
      %add3A_525 = arith.addf %add3A_523, %add3A_524 : vector<1024x1024xf32>
      %min3A_526 = arith.minimumf %min3A_520, %add3A_525 : vector<1024x1024xf32>
      %slice3A_527 = vector.extract_strided_slice %transpose3A_503 {offsets = [0, 4], sizes = [1024, 1], strides = [1, 1]} : vector<1024x32xf32> to vector<1024x1xf32>
      %slice3A_528 = vector.extract_strided_slice %concatenate3A {offsets = [4, 0], sizes = [1, 1024], strides = [1, 1]} : vector<32x1024xf32> to vector<1x1024xf32>
      %add3A_529 = vector.broadcast %slice3A_527 : vector<1024x1xf32> to vector<1024x1024xf32>
      %add3A_530 = vector.broadcast %slice3A_528 : vector<1x1024xf32> to vector<1024x1024xf32>
      %add3A_531 = arith.addf %add3A_529, %add3A_530 : vector<1024x1024xf32>
      %min3A_532 = arith.minimumf %min3A_526, %add3A_531 : vector<1024x1024xf32>
      %slice3A_533 = vector.extract_strided_slice %transpose3A_503 {offsets = [0, 5], sizes = [1024, 1], strides = [1, 1]} : vector<1024x32xf32> to vector<1024x1xf32>
      %slice3A_534 = vector.extract_strided_slice %concatenate3A {offsets = [5, 0], sizes = [1, 1024], strides = [1, 1]} : vector<32x1024xf32> to vector<1x1024xf32>
      %add3A_535 = vector.broadcast %slice3A_533 : vector<1024x1xf32> to vector<1024x1024xf32>
      %add3A_536 = vector.broadcast %slice3A_534 : vector<1x1024xf32> to vector<1024x1024xf32>
      %add3A_537 = arith.addf %add3A_535, %add3A_536 : vector<1024x1024xf32>
      %min3A_538 = arith.minimumf %min3A_532, %add3A_537 : vector<1024x1024xf32>
      %slice3A_539 = vector.extract_strided_slice %transpose3A_503 {offsets = [0, 6], sizes = [1024, 1], strides = [1, 1]} : vector<1024x32xf32> to vector<1024x1xf32>
      %slice3A_540 = vector.extract_strided_slice %concatenate3A {offsets = [6, 0], sizes = [1, 1024], strides = [1, 1]} : vector<32x1024xf32> to vector<1x1024xf32>
      %add3A_541 = vector.broadcast %slice3A_539 : vector<1024x1xf32> to vector<1024x1024xf32>
      %add3A_542 = vector.broadcast %slice3A_540 : vector<1x1024xf32> to vector<1024x1024xf32>
      %add3A_543 = arith.addf %add3A_541, %add3A_542 : vector<1024x1024xf32>
      %min3A_544 = arith.minimumf %min3A_538, %add3A_543 : vector<1024x1024xf32>
      %slice3A_545 = vector.extract_strided_slice %transpose3A_503 {offsets = [0, 7], sizes = [1024, 1], strides = [1, 1]} : vector<1024x32xf32> to vector<1024x1xf32>
      %slice3A_546 = vector.extract_strided_slice %concatenate3A {offsets = [7, 0], sizes = [1, 1024], strides = [1, 1]} : vector<32x1024xf32> to vector<1x1024xf32>
      %add3A_547 = vector.broadcast %slice3A_545 : vector<1024x1xf32> to vector<1024x1024xf32>
      %add3A_548 = vector.broadcast %slice3A_546 : vector<1x1024xf32> to vector<1024x1024xf32>
      %add3A_549 = arith.addf %add3A_547, %add3A_548 : vector<1024x1024xf32>
      %min3A_550 = arith.minimumf %min3A_544, %add3A_549 : vector<1024x1024xf32>
      %slice3A_551 = vector.extract_strided_slice %transpose3A_503 {offsets = [0, 8], sizes = [1024, 1], strides = [1, 1]} : vector<1024x32xf32> to vector<1024x1xf32>
      %slice3A_552 = vector.extract_strided_slice %concatenate3A {offsets = [8, 0], sizes = [1, 1024], strides = [1, 1]} : vector<32x1024xf32> to vector<1x1024xf32>
      %add3A_553 = vector.broadcast %slice3A_551 : vector<1024x1xf32> to vector<1024x1024xf32>
      %add3A_554 = vector.broadcast %slice3A_552 : vector<1x1024xf32> to vector<1024x1024xf32>
      %add3A_555 = arith.addf %add3A_553, %add3A_554 : vector<1024x1024xf32>
      %min3A_556 = arith.minimumf %min3A_550, %add3A_555 : vector<1024x1024xf32>
      %slice3A_557 = vector.extract_strided_slice %transpose3A_503 {offsets = [0, 9], sizes = [1024, 1], strides = [1, 1]} : vector<1024x32xf32> to vector<1024x1xf32>
      %slice3A_558 = vector.extract_strided_slice %concatenate3A {offsets = [9, 0], sizes = [1, 1024], strides = [1, 1]} : vector<32x1024xf32> to vector<1x1024xf32>
      %add3A_559 = vector.broadcast %slice3A_557 : vector<1024x1xf32> to vector<1024x1024xf32>
      %add3A_560 = vector.broadcast %slice3A_558 : vector<1x1024xf32> to vector<1024x1024xf32>
      %add3A_561 = arith.addf %add3A_559, %add3A_560 : vector<1024x1024xf32>
      %min3A_562 = arith.minimumf %min3A_556, %add3A_561 : vector<1024x1024xf32>
      %slice3A_563 = vector.extract_strided_slice %transpose3A_503 {offsets = [0, 10], sizes = [1024, 1], strides = [1, 1]} : vector<1024x32xf32> to vector<1024x1xf32>
      %slice3A_564 = vector.extract_strided_slice %concatenate3A {offsets = [10, 0], sizes = [1, 1024], strides = [1, 1]} : vector<32x1024xf32> to vector<1x1024xf32>
      %add3A_565 = vector.broadcast %slice3A_563 : vector<1024x1xf32> to vector<1024x1024xf32>
      %add3A_566 = vector.broadcast %slice3A_564 : vector<1x1024xf32> to vector<1024x1024xf32>
      %add3A_567 = arith.addf %add3A_565, %add3A_566 : vector<1024x1024xf32>
      %min3A_568 = arith.minimumf %min3A_562, %add3A_567 : vector<1024x1024xf32>
      %slice3A_569 = vector.extract_strided_slice %transpose3A_503 {offsets = [0, 11], sizes = [1024, 1], strides = [1, 1]} : vector<1024x32xf32> to vector<1024x1xf32>
      %slice3A_570 = vector.extract_strided_slice %concatenate3A {offsets = [11, 0], sizes = [1, 1024], strides = [1, 1]} : vector<32x1024xf32> to vector<1x1024xf32>
      %add3A_571 = vector.broadcast %slice3A_569 : vector<1024x1xf32> to vector<1024x1024xf32>
      %add3A_572 = vector.broadcast %slice3A_570 : vector<1x1024xf32> to vector<1024x1024xf32>
      %add3A_573 = arith.addf %add3A_571, %add3A_572 : vector<1024x1024xf32>
      %min3A_574 = arith.minimumf %min3A_568, %add3A_573 : vector<1024x1024xf32>
      %slice3A_575 = vector.extract_strided_slice %transpose3A_503 {offsets = [0, 12], sizes = [1024, 1], strides = [1, 1]} : vector<1024x32xf32> to vector<1024x1xf32>
      %slice3A_576 = vector.extract_strided_slice %concatenate3A {offsets = [12, 0], sizes = [1, 1024], strides = [1, 1]} : vector<32x1024xf32> to vector<1x1024xf32>
      %add3A_577 = vector.broadcast %slice3A_575 : vector<1024x1xf32> to vector<1024x1024xf32>
      %add3A_578 = vector.broadcast %slice3A_576 : vector<1x1024xf32> to vector<1024x1024xf32>
      %add3A_579 = arith.addf %add3A_577, %add3A_578 : vector<1024x1024xf32>
      %min3A_580 = arith.minimumf %min3A_574, %add3A_579 : vector<1024x1024xf32>
      %slice3A_581 = vector.extract_strided_slice %transpose3A_503 {offsets = [0, 13], sizes = [1024, 1], strides = [1, 1]} : vector<1024x32xf32> to vector<1024x1xf32>
      %slice3A_582 = vector.extract_strided_slice %concatenate3A {offsets = [13, 0], sizes = [1, 1024], strides = [1, 1]} : vector<32x1024xf32> to vector<1x1024xf32>
      %add3A_583 = vector.broadcast %slice3A_581 : vector<1024x1xf32> to vector<1024x1024xf32>
      %add3A_584 = vector.broadcast %slice3A_582 : vector<1x1024xf32> to vector<1024x1024xf32>
      %add3A_585 = arith.addf %add3A_583, %add3A_584 : vector<1024x1024xf32>
      %min3A_586 = arith.minimumf %min3A_580, %add3A_585 : vector<1024x1024xf32>
      %slice3A_587 = vector.extract_strided_slice %transpose3A_503 {offsets = [0, 14], sizes = [1024, 1], strides = [1, 1]} : vector<1024x32xf32> to vector<1024x1xf32>
      %slice3A_588 = vector.extract_strided_slice %concatenate3A {offsets = [14, 0], sizes = [1, 1024], strides = [1, 1]} : vector<32x1024xf32> to vector<1x1024xf32>
      %add3A_589 = vector.broadcast %slice3A_587 : vector<1024x1xf32> to vector<1024x1024xf32>
      %add3A_590 = vector.broadcast %slice3A_588 : vector<1x1024xf32> to vector<1024x1024xf32>
      %add3A_591 = arith.addf %add3A_589, %add3A_590 : vector<1024x1024xf32>
      %min3A_592 = arith.minimumf %min3A_586, %add3A_591 : vector<1024x1024xf32>
      %slice3A_593 = vector.extract_strided_slice %transpose3A_503 {offsets = [0, 15], sizes = [1024, 1], strides = [1, 1]} : vector<1024x32xf32> to vector<1024x1xf32>
      %slice3A_594 = vector.extract_strided_slice %concatenate3A {offsets = [15, 0], sizes = [1, 1024], strides = [1, 1]} : vector<32x1024xf32> to vector<1x1024xf32>
      %add3A_595 = vector.broadcast %slice3A_593 : vector<1024x1xf32> to vector<1024x1024xf32>
      %add3A_596 = vector.broadcast %slice3A_594 : vector<1x1024xf32> to vector<1024x1024xf32>
      %add3A_597 = arith.addf %add3A_595, %add3A_596 : vector<1024x1024xf32>
      %min3A_598 = arith.minimumf %min3A_592, %add3A_597 : vector<1024x1024xf32>
      %slice3A_599 = vector.extract_strided_slice %transpose3A_503 {offsets = [0, 16], sizes = [1024, 1], strides = [1, 1]} : vector<1024x32xf32> to vector<1024x1xf32>
      %slice3A_600 = vector.extract_strided_slice %concatenate3A {offsets = [16, 0], sizes = [1, 1024], strides = [1, 1]} : vector<32x1024xf32> to vector<1x1024xf32>
      %add3A_601 = vector.broadcast %slice3A_599 : vector<1024x1xf32> to vector<1024x1024xf32>
      %add3A_602 = vector.broadcast %slice3A_600 : vector<1x1024xf32> to vector<1024x1024xf32>
      %add3A_603 = arith.addf %add3A_601, %add3A_602 : vector<1024x1024xf32>
      %min3A_604 = arith.minimumf %min3A_598, %add3A_603 : vector<1024x1024xf32>
      %slice3A_605 = vector.extract_strided_slice %transpose3A_503 {offsets = [0, 17], sizes = [1024, 1], strides = [1, 1]} : vector<1024x32xf32> to vector<1024x1xf32>
      %slice3A_606 = vector.extract_strided_slice %concatenate3A {offsets = [17, 0], sizes = [1, 1024], strides = [1, 1]} : vector<32x1024xf32> to vector<1x1024xf32>
      %add3A_607 = vector.broadcast %slice3A_605 : vector<1024x1xf32> to vector<1024x1024xf32>
      %add3A_608 = vector.broadcast %slice3A_606 : vector<1x1024xf32> to vector<1024x1024xf32>
      %add3A_609 = arith.addf %add3A_607, %add3A_608 : vector<1024x1024xf32>
      %min3A_610 = arith.minimumf %min3A_604, %add3A_609 : vector<1024x1024xf32>
      %slice3A_611 = vector.extract_strided_slice %transpose3A_503 {offsets = [0, 18], sizes = [1024, 1], strides = [1, 1]} : vector<1024x32xf32> to vector<1024x1xf32>
      %slice3A_612 = vector.extract_strided_slice %concatenate3A {offsets = [18, 0], sizes = [1, 1024], strides = [1, 1]} : vector<32x1024xf32> to vector<1x1024xf32>
      %add3A_613 = vector.broadcast %slice3A_611 : vector<1024x1xf32> to vector<1024x1024xf32>
      %add3A_614 = vector.broadcast %slice3A_612 : vector<1x1024xf32> to vector<1024x1024xf32>
      %add3A_615 = arith.addf %add3A_613, %add3A_614 : vector<1024x1024xf32>
      %min3A_616 = arith.minimumf %min3A_610, %add3A_615 : vector<1024x1024xf32>
      %slice3A_617 = vector.extract_strided_slice %transpose3A_503 {offsets = [0, 19], sizes = [1024, 1], strides = [1, 1]} : vector<1024x32xf32> to vector<1024x1xf32>
      %slice3A_618 = vector.extract_strided_slice %concatenate3A {offsets = [19, 0], sizes = [1, 1024], strides = [1, 1]} : vector<32x1024xf32> to vector<1x1024xf32>
      %add3A_619 = vector.broadcast %slice3A_617 : vector<1024x1xf32> to vector<1024x1024xf32>
      %add3A_620 = vector.broadcast %slice3A_618 : vector<1x1024xf32> to vector<1024x1024xf32>
      %add3A_621 = arith.addf %add3A_619, %add3A_620 : vector<1024x1024xf32>
      %min3A_622 = arith.minimumf %min3A_616, %add3A_621 : vector<1024x1024xf32>
      %slice3A_623 = vector.extract_strided_slice %transpose3A_503 {offsets = [0, 20], sizes = [1024, 1], strides = [1, 1]} : vector<1024x32xf32> to vector<1024x1xf32>
      %slice3A_624 = vector.extract_strided_slice %concatenate3A {offsets = [20, 0], sizes = [1, 1024], strides = [1, 1]} : vector<32x1024xf32> to vector<1x1024xf32>
      %add3A_625 = vector.broadcast %slice3A_623 : vector<1024x1xf32> to vector<1024x1024xf32>
      %add3A_626 = vector.broadcast %slice3A_624 : vector<1x1024xf32> to vector<1024x1024xf32>
      %add3A_627 = arith.addf %add3A_625, %add3A_626 : vector<1024x1024xf32>
      %min3A_628 = arith.minimumf %min3A_622, %add3A_627 : vector<1024x1024xf32>
      %slice3A_629 = vector.extract_strided_slice %transpose3A_503 {offsets = [0, 21], sizes = [1024, 1], strides = [1, 1]} : vector<1024x32xf32> to vector<1024x1xf32>
      %slice3A_630 = vector.extract_strided_slice %concatenate3A {offsets = [21, 0], sizes = [1, 1024], strides = [1, 1]} : vector<32x1024xf32> to vector<1x1024xf32>
      %add3A_631 = vector.broadcast %slice3A_629 : vector<1024x1xf32> to vector<1024x1024xf32>
      %add3A_632 = vector.broadcast %slice3A_630 : vector<1x1024xf32> to vector<1024x1024xf32>
      %add3A_633 = arith.addf %add3A_631, %add3A_632 : vector<1024x1024xf32>
      %min3A_634 = arith.minimumf %min3A_628, %add3A_633 : vector<1024x1024xf32>
      %slice3A_635 = vector.extract_strided_slice %transpose3A_503 {offsets = [0, 22], sizes = [1024, 1], strides = [1, 1]} : vector<1024x32xf32> to vector<1024x1xf32>
      %slice3A_636 = vector.extract_strided_slice %concatenate3A {offsets = [22, 0], sizes = [1, 1024], strides = [1, 1]} : vector<32x1024xf32> to vector<1x1024xf32>
      %add3A_637 = vector.broadcast %slice3A_635 : vector<1024x1xf32> to vector<1024x1024xf32>
      %add3A_638 = vector.broadcast %slice3A_636 : vector<1x1024xf32> to vector<1024x1024xf32>
      %add3A_639 = arith.addf %add3A_637, %add3A_638 : vector<1024x1024xf32>
      %min3A_640 = arith.minimumf %min3A_634, %add3A_639 : vector<1024x1024xf32>
      %slice3A_641 = vector.extract_strided_slice %transpose3A_503 {offsets = [0, 23], sizes = [1024, 1], strides = [1, 1]} : vector<1024x32xf32> to vector<1024x1xf32>
      %slice3A_642 = vector.extract_strided_slice %concatenate3A {offsets = [23, 0], sizes = [1, 1024], strides = [1, 1]} : vector<32x1024xf32> to vector<1x1024xf32>
      %add3A_643 = vector.broadcast %slice3A_641 : vector<1024x1xf32> to vector<1024x1024xf32>
      %add3A_644 = vector.broadcast %slice3A_642 : vector<1x1024xf32> to vector<1024x1024xf32>
      %add3A_645 = arith.addf %add3A_643, %add3A_644 : vector<1024x1024xf32>
      %min3A_646 = arith.minimumf %min3A_640, %add3A_645 : vector<1024x1024xf32>
      %slice3A_647 = vector.extract_strided_slice %transpose3A_503 {offsets = [0, 24], sizes = [1024, 1], strides = [1, 1]} : vector<1024x32xf32> to vector<1024x1xf32>
      %slice3A_648 = vector.extract_strided_slice %concatenate3A {offsets = [24, 0], sizes = [1, 1024], strides = [1, 1]} : vector<32x1024xf32> to vector<1x1024xf32>
      %add3A_649 = vector.broadcast %slice3A_647 : vector<1024x1xf32> to vector<1024x1024xf32>
      %add3A_650 = vector.broadcast %slice3A_648 : vector<1x1024xf32> to vector<1024x1024xf32>
      %add3A_651 = arith.addf %add3A_649, %add3A_650 : vector<1024x1024xf32>
      %min3A_652 = arith.minimumf %min3A_646, %add3A_651 : vector<1024x1024xf32>
      %slice3A_653 = vector.extract_strided_slice %transpose3A_503 {offsets = [0, 25], sizes = [1024, 1], strides = [1, 1]} : vector<1024x32xf32> to vector<1024x1xf32>
      %slice3A_654 = vector.extract_strided_slice %concatenate3A {offsets = [25, 0], sizes = [1, 1024], strides = [1, 1]} : vector<32x1024xf32> to vector<1x1024xf32>
      %add3A_655 = vector.broadcast %slice3A_653 : vector<1024x1xf32> to vector<1024x1024xf32>
      %add3A_656 = vector.broadcast %slice3A_654 : vector<1x1024xf32> to vector<1024x1024xf32>
      %add3A_657 = arith.addf %add3A_655, %add3A_656 : vector<1024x1024xf32>
      %min3A_658 = arith.minimumf %min3A_652, %add3A_657 : vector<1024x1024xf32>
      %slice3A_659 = vector.extract_strided_slice %transpose3A_503 {offsets = [0, 26], sizes = [1024, 1], strides = [1, 1]} : vector<1024x32xf32> to vector<1024x1xf32>
      %slice3A_660 = vector.extract_strided_slice %concatenate3A {offsets = [26, 0], sizes = [1, 1024], strides = [1, 1]} : vector<32x1024xf32> to vector<1x1024xf32>
      %add3A_661 = vector.broadcast %slice3A_659 : vector<1024x1xf32> to vector<1024x1024xf32>
      %add3A_662 = vector.broadcast %slice3A_660 : vector<1x1024xf32> to vector<1024x1024xf32>
      %add3A_663 = arith.addf %add3A_661, %add3A_662 : vector<1024x1024xf32>
      %min3A_664 = arith.minimumf %min3A_658, %add3A_663 : vector<1024x1024xf32>
      %slice3A_665 = vector.extract_strided_slice %transpose3A_503 {offsets = [0, 27], sizes = [1024, 1], strides = [1, 1]} : vector<1024x32xf32> to vector<1024x1xf32>
      %slice3A_666 = vector.extract_strided_slice %concatenate3A {offsets = [27, 0], sizes = [1, 1024], strides = [1, 1]} : vector<32x1024xf32> to vector<1x1024xf32>
      %add3A_667 = vector.broadcast %slice3A_665 : vector<1024x1xf32> to vector<1024x1024xf32>
      %add3A_668 = vector.broadcast %slice3A_666 : vector<1x1024xf32> to vector<1024x1024xf32>
      %add3A_669 = arith.addf %add3A_667, %add3A_668 : vector<1024x1024xf32>
      %min3A_670 = arith.minimumf %min3A_664, %add3A_669 : vector<1024x1024xf32>
      %slice3A_671 = vector.extract_strided_slice %transpose3A_503 {offsets = [0, 28], sizes = [1024, 1], strides = [1, 1]} : vector<1024x32xf32> to vector<1024x1xf32>
      %slice3A_672 = vector.extract_strided_slice %concatenate3A {offsets = [28, 0], sizes = [1, 1024], strides = [1, 1]} : vector<32x1024xf32> to vector<1x1024xf32>
      %add3A_673 = vector.broadcast %slice3A_671 : vector<1024x1xf32> to vector<1024x1024xf32>
      %add3A_674 = vector.broadcast %slice3A_672 : vector<1x1024xf32> to vector<1024x1024xf32>
      %add3A_675 = arith.addf %add3A_673, %add3A_674 : vector<1024x1024xf32>
      %min3A_676 = arith.minimumf %min3A_670, %add3A_675 : vector<1024x1024xf32>
      %slice3A_677 = vector.extract_strided_slice %transpose3A_503 {offsets = [0, 29], sizes = [1024, 1], strides = [1, 1]} : vector<1024x32xf32> to vector<1024x1xf32>
      %slice3A_678 = vector.extract_strided_slice %concatenate3A {offsets = [29, 0], sizes = [1, 1024], strides = [1, 1]} : vector<32x1024xf32> to vector<1x1024xf32>
      %add3A_679 = vector.broadcast %slice3A_677 : vector<1024x1xf32> to vector<1024x1024xf32>
      %add3A_680 = vector.broadcast %slice3A_678 : vector<1x1024xf32> to vector<1024x1024xf32>
      %add3A_681 = arith.addf %add3A_679, %add3A_680 : vector<1024x1024xf32>
      %min3A_682 = arith.minimumf %min3A_676, %add3A_681 : vector<1024x1024xf32>
      %slice3A_683 = vector.extract_strided_slice %transpose3A_503 {offsets = [0, 30], sizes = [1024, 1], strides = [1, 1]} : vector<1024x32xf32> to vector<1024x1xf32>
      %slice3A_684 = vector.extract_strided_slice %concatenate3A {offsets = [30, 0], sizes = [1, 1024], strides = [1, 1]} : vector<32x1024xf32> to vector<1x1024xf32>
      %add3A_685 = vector.broadcast %slice3A_683 : vector<1024x1xf32> to vector<1024x1024xf32>
      %add3A_686 = vector.broadcast %slice3A_684 : vector<1x1024xf32> to vector<1024x1024xf32>
      %add3A_687 = arith.addf %add3A_685, %add3A_686 : vector<1024x1024xf32>
      %min3A_688 = arith.minimumf %min3A_682, %add3A_687 : vector<1024x1024xf32>
      %slice3A_689 = vector.extract_strided_slice %transpose3A_503 {offsets = [0, 31], sizes = [1024, 1], strides = [1, 1]} : vector<1024x32xf32> to vector<1024x1xf32>
      %slice3A_690 = vector.extract_strided_slice %concatenate3A {offsets = [31, 0], sizes = [1, 1024], strides = [1, 1]} : vector<32x1024xf32> to vector<1x1024xf32>
      %add3A_691 = vector.broadcast %slice3A_689 : vector<1024x1xf32> to vector<1024x1024xf32>
      %add3A_692 = vector.broadcast %slice3A_690 : vector<1x1024xf32> to vector<1024x1024xf32>
      %add3A_693 = arith.addf %add3A_691, %add3A_692 : vector<1024x1024xf32>
      %min3A_694 = arith.minimumf %min3A_688, %add3A_693 : vector<1024x1024xf32>
      %get3A_695 = arith.constant 0 : index
      %get3A_696 = arith.constant 0 : index
      %get3A_697 = vector.load %arg3[%get3A_695, %get3A_696] : memref<1024x1024xf32, #tpu.memory_space<vmem>>, vector<1024x1024xf32>
      %min3A_698 = arith.minimumf %get3A_697, %min3A_694 : vector<1024x1024xf32>
      %swap3A_699 = arith.constant 0 : index
      %swap3A_700 = arith.constant 0 : index
      %swap3A_701 = vector.load %arg3[%swap3A_699, %swap3A_700] : memref<1024x1024xf32, #tpu.memory_space<vmem>>, vector<1024x1024xf32>
      tpu.vector_store %arg3[%swap3A_699, %swap3A_700], %min3A_698 {strides = array<i32>} : memref<1024x1024xf32, #tpu.memory_space<vmem>>, vector<1024x1024xf32>,
    }
    %scan3A_160 = arith.constant 32 : i32
    return
  }
}

</mosaic_0001>

<sc_bundles>
// kernel: kernel.4.cloned.1.call-start
scs
__scs_entry_jumppad:
0x0: {  	(pc) =	sbr.rel $0x88, $3  }
0x1: {  	(tag) =	ssettag $0x0;
	lr =	simm.s32 $0x1  }
0x2: {  	[smem:$0x3FA0] =	sst lr;
	_ =	strace $0xD0000000  }
0x3: {  	_ = 	snop  }
0x4: {  	_ = 	snop  }
0x5: {  	_ = 	snop  }
0x6: {  	_ = 	snop  }
0x7: {  	_ = 	snop  }
__scs_overlays_trampoline_lowered:
0x8: {  	[smem:$0x3FAF] =	sst s0  }
0x9: {  	[smem:$0x3FB0] =	sst s1  }
0xa: {  	[smem:$0x3FB1] =	sst s2  }
0xb: {  	[smem:$0x3FB2] =	sst s3  }
0xc: {  	[smem:$0x3FB3] =	sst s4  }
0xd: {  	[smem:$0x3FB4] =	sst s5  }
0xe: {  	[smem:$0x3FB5] =	sst s6  }
0xf: {  	[smem:$0x3FB6] =	sst s7  }
0x10: {  	[smem:$0x3FB7] =	sst s8  }
0x11: {  	[smem:$0x3FB8] =	sst s9;
	s0 =	simm.s32 @!p0 $0x0  }
0x12: {  	s1 =	sld [smem:$0x3F9E];
	s0 =	simm.s32 @p0 $0x1  }
0x13: {  	[smem:$0x3FB9] =	sst s0;
	s0 =	simm.s32 @!p1 $0x0  }
0x14: {  	s2 =	sld [smem:$0x3F9D];
	s0 =	simm.s32 @p1 $0x1  }
0x15: {  	[smem:$0x3FBA] =	sst s0;
	s0 =	simm.s32 @!p2 $0x0  }
0x16: {  	s3 =	sld [smem:$0x3FDB];
	s0 =	simm.s32 @p2 $0x1  }
0x17: {  	s4 =	simm.s32 $0x1BF5;
	[smem:$0x3FBC] =	sst s0  }
0x18: {  	s0 =	sld [smem:$0x3F9F];
	_ =	swait.ge [sflag:s4], $0x0  }
0x19: {  	s7 =	sld [smem:$0x3FA0]  }
0x1a: {  	s8 =	sadd.s32 $0xFFFFE003, lr  }
0x1b: {  	s9 =	sadd.s32 $0xFFFFFEF7, lr;
	s5 =	simm.s32 $0xFFFFFFFF;
	p2 =	slt.u32 s8, $0xFFFFF086  }
0x1c: {  	p1 =	slt.u32 s9, $0xF7A;
	s5 =	simm.s32 @!p2 $0x0  }
0x1d: {  	s5 =	simm.s32 @p1 $0x1;
	p0 =	seq.s32 s7, s2  }
0x1e: {  	s7 =	smul.u32 @!p0 $0xF7A, s2;
	p2 =	seq.s32 @!p0 s5, $0x0  }
0x1f: {  	s9 =	smul.u32 $0xF7A, s1;
	s8 =	simm.s32 @!p0 $0x1BF5;
	p2 =	por !p2, p0  }
0x20: {  	[sflag:s8] =	ssyncset.s32 @!p0 $0xFFFFF086;
	s6 =	sadd.s32 @!p0 s3, s7;
	s7 =	simm.s32 @!p0 $0x108  }
0x21: {  	s3 =	sadd.s32 s3, s9;
	s6 =	sadd.s32 @!p0 $0x88, s6;
	s7 =	simm.s32 @p2 $0x1082  }
0x22: {  	[simem:s7], [sflag:s8] =	dma.local @!p0 [hbm:s6], $0xF7A  }
0x23: {  	s9 =	sor.u32 $0xD0000000, s2;
	s6 =	simm.s32 $0x108;
	_ =	swait.ge @!p0 [sflag:s8], $0x0  }
0x24: {  	s3 =	sadd.s32 $0x88, s3;
	s6 =	simm.s32 @!p1 $0x1082;
	[sflag:s4] =	ssyncset.s32 $0xFFFFF086  }
0x25: {  	[simem:s6], [sflag:s4] =	dma.local [hbm:s3], $0xF7A  }
0x26: {  	[smem:$0x3FA0] =	sst s1;
	(tag) =	ssettag s2;
	_ =	strace s9  }
0x27: {  	s1 =	sld [smem:$0x3FB0]  }
0x28: {  	s2 =	sld [smem:$0x3FB1]  }
0x29: {  	s4 =	sld [smem:$0x3FB3]  }
0x2a: {  	p0 =	seq.s32 s5, $0x0;
	s5 =	sld [smem:$0x3FB4]  }
0x2b: {  	s6 =	sld [smem:$0x3FB5]  }
0x2c: {  	s7 =	sld [smem:$0x3FB6]  }
0x2d: {  	s3 =	simm.s32 $0x108;
	s8 =	sld [smem:$0x3FB7]  }
0x2e: {  	s3 =	simm.s32 @!p0 $0x1082;
	s9 =	sld [smem:$0x3FB8]  }
0x2f: {  	lr =	sadd.s32 s0, s3;
	s0 =	sld [smem:$0x3FAF]  }
0x30: {  	s3 =	sld [smem:$0x3FB2]  }
0x31: {  	[smem:$0x3FBB] =	sst s10  }
0x32: {  	s10 =	sld [smem:$0x3FB9];
	_ =	sdelay $0x3  }
0x33: {  	p0 =	seq.s32 s10, $0x1;
	s10 =	sld [smem:$0x3FBB];
	_ =	sdelay $0x3  }
0x34: {  	[smem:$0x3FBB] =	sst s10  }
0x35: {  	s10 =	sld [smem:$0x3FBA];
	_ =	sdelay $0x3  }
0x36: {  	p1 =	seq.s32 s10, $0x1;
	s10 =	sld [smem:$0x3FBB];
	_ =	sdelay $0x3  }
0x37: {  	[smem:$0x3FBB] =	sst s10  }
0x38: {  	s10 =	sld [smem:$0x3FBC]  }
0x39: {  	_ = 	snop;
	(pc) =	sbr.ind lr, $3  }
0x3a: {  	_ = 	snop  }
0x3b: {  	_ = 	snop  }
0x3c: {  	p2 =	seq.s32 s10, $0x1;
	s10 =	sld [smem:$0x3FBB]  }
0x3d: {  	_ =	shalt  }
0x3e: {  	_ =	shalt  }
0x3f: {  	_ =	shalt  }
0x40: {  	_ =	shalt  }
0x41: {  	_ =	shalt  }
0x42: {  	_ =	shalt  }
0x43: {  	_ =	shalt  }
0x44: {  	_ =	shalt  }
0x45: {  	_ =	shalt  }
0x46: {  	_ =	shalt  }
0x47: {  	_ =	shalt  }
0x48: {  	_ =	shalt  }
0x49: {  	_ =	shalt  }
0x4a: {  	_ =	shalt  }
0x4b: {  	_ =	shalt  }
0x4c: {  	_ =	shalt  }
0x4d: {  	_ =	shalt  }
0x4e: {  	_ =	shalt  }
0x4f: {  	_ =	shalt  }
0x50: {  	_ =	shalt  }
0x51: {  	_ =	shalt  }
0x52: {  	_ =	shalt  }
0x53: {  	_ =	shalt  }
0x54: {  	_ =	shalt  }
0x55: {  	_ =	shalt  }
0x56: {  	_ =	shalt  }
0x57: {  	_ =	shalt  }
0x58: {  	_ =	shalt  }
0x59: {  	_ =	shalt  }
0x5a: {  	_ =	shalt  }
0x5b: {  	_ =	shalt  }
0x5c: {  	_ =	shalt  }
0x5d: {  	_ =	shalt  }
0x5e: {  	_ =	shalt  }
0x5f: {  	_ =	shalt  }
0x60: {  	_ =	shalt  }
0x61: {  	_ =	shalt  }
0x62: {  	_ =	shalt  }
0x63: {  	_ =	shalt  }
0x64: {  	_ =	shalt  }
0x65: {  	_ =	shalt  }
0x66: {  	_ =	shalt  }
0x67: {  	_ =	shalt  }
0x68: {  	_ =	shalt  }
0x69: {  	_ =	shalt  }
0x6a: {  	_ =	shalt  }
0x6b: {  	_ =	shalt  }
0x6c: {  	_ =	shalt  }
0x6d: {  	_ =	shalt  }
0x6e: {  	_ =	shalt  }
0x6f: {  	_ =	shalt  }
0x70: {  	_ =	shalt  }
0x71: {  	_ =	shalt  }
0x72: {  	_ =	shalt  }
0x73: {  	_ =	shalt  }
0x74: {  	_ =	shalt  }
0x75: {  	_ =	shalt  }
0x76: {  	_ =	shalt  }
0x77: {  	_ =	shalt  }
0x78: {  	_ =	shalt  }
0x79: {  	_ =	shalt  }
0x7a: {  	_ =	shalt  }
0x7b: {  	_ =	shalt  }
0x7c: {  	_ =	shalt  }
0x7d: {  	_ =	shalt  }
0x7e: {  	_ =	shalt  }
0x7f: {  	_ =	shalt  }
0x80: {  	_ =	shalt  }
0x81: {  	_ =	shalt  }
0x82: {  	_ =	shalt  }
0x83: {  	_ =	shalt  }
0x84: {  	_ =	shalt  }
0x85: {  	_ =	shalt  }
0x86: {  	_ =	shalt  }
0x87: {  	_ =	shalt  }
.Lfunc_end0:
.L_simem_size_0:
called_computation_lowered:
.L_overlay_start_0:
0x88: {  	s2 =	sld [smem:$0x3FD9]  }
0x89: {  	s3 =	sld [smem:$0x3FFE];
	_ =	sdelay $0x1  }
0x8a: {  	s1 =	srdreg.scid  }
0x8b: {  	s0 =	sand.u32 $0x1, s1  }
0x8c: {  	s16 =	sshll.u32 s0, $0xA;
	s2 =	sadd.s32 s3, s2  }
0x8d: {  	s2 =	sadd.s32 s2, s16  }
0x8e: {  	[smem:$0x3FC7] =	sst s2  }
0x8f: {  	_ = 	snop  }
0x90: {  	(tm) =	ssettm $0x1  }
0x91: {  	s17 =	sld [smem:$0x3FFB];
	_ =	sdelay $0x3  }
0x92: {  	_ =	strace s17  }
0x93: {  	s2 =	sld [smem:$0x3FFC];
	_ =	sdelay $0x3  }
0x94: {  	_ =	strace s2  }
0x95: {  	s2 =	sld [smem:$0x3FFD];
	_ =	sdelay $0x3  }
0x96: {  	_ =	strace s2  }
0x97: {  	_ =	strace $0x8FFFFFFF  }
0x98: {  	s18 =	sld [smem:$0x3FDB];
	_ =	sdelay $0x1  }
0x99: {  	s19 =	simm.s32 $_scs_section_size  }
0x9a: {  	s4 =	simm.s32 $_size__tile_overlayer_lowered;
	s5 =	simm.s32 $_tile_overlayer_lowered  }
0x9b: {  	s22 =	simm.s32 $0x1BFF;
	s21 =	sshll.u32 s5, $0x1;
	s2 =	sadd.s32 s19, s18  }
0x9c: {  	s6 =	simm.s32 $0x0;
	s20 =	sshll.u32 s4, $0x1;
	s4 =	sadd.s32 s21, s2  }
0x9d: {  	[timem:s6], [sflag:s22] =	dma.local [hbm:s4], s20  }
0x9e: {  	_ =	swait.ge [sflag:s22], s20  }
0x9f: {  	s3 =	ssub.s32 $0x0, s20;
	[sflag:s22] =	ssyncset.done $0x0  }
0xa0: {  	[sflag:s22] =	ssyncadd.s32 s3;
	_ =	sdelay $0x1  }
0xa1: {  	s23 =	simm.s32 $0x1B8B  }
0xa2: {  	_ =	swait.ge [sflag:s23], $0x1  }
0xa3: {  	[sflag:s23] =	ssyncset.done $0x0  }
0xa4: {  	s25 =	simm.s32 $0x1B8E;
	s24 =	sld [smem:$0x3FFE];
	[sflag:s23] =	ssyncadd.s32 $0xFFFFFFFF  }
0xa5: {  	s26 =	simm.s32 $execute0_lowered;
	[smem:$0x3FD2] =	sst s25  }
0xa6: {  	s4 =	sshll.u32 s26, $0x1;
	_ =	strace $0x80000046;
	[dreg:$0x1] =	wrdreg $0xFFFFFFFF  }
0xa7: {  	s28 =	simm.s32 $_size_execute0_lowered;
	s2 =	sadd.s32 s2, s4;
	[dreg:$0x0] =	wrdreg $0x0  }
0xa8: {  	s4 =	sshll.u32 s28, $0x1;
	[dreg:$0x2] =	wrdreg s2  }
0xa9: {  	[dreg:$0x3] =	wrdreg s4  }
0xaa: {  	[dreg:$0x4] =	wrdreg $0xC0  }
0xab: {  	_ =	task [dreg:s6], $0x5FFFF  }
0xac: {  	[dreg:$0x1] =	wrdreg $0xFFFFFFFF  }
0xad: {  	[dreg:$0x0] =	wrdreg $0x60  }
0xae: {  	[dreg:$0x2] =	wrdreg s24  }
0xaf: {  	[dreg:$0x3] =	wrdreg $0x9  }
0xb0: {  	_ =	task.clear_ibuf [dreg:s6], $0x4FFFF;
	_ =	strace $0x90000046  }
0xb1: {  	s29 =	simm.s32 $0x9;
	_ =	strace $0x80000048  }
0xb2: {  	_ =	swait.ge [sflag:s29], $0x1  }
0xb3: {  	[sflag:s29] =	ssyncadd.s32 $0xFFFFFFFF  }
0xb4: {  	_ =	strace $0x90000048  }
0xb5: {  	_ =	sfence  }
0xb6: {  	s30 =	sld [smem:$0x0];
	_ =	sdelay $0x2  }
0xb7: {  	s31 =	sshll.u32 s1, $0xD;
	s1 =	sshrl.u32 s1, $0x2  }
0xb8: {  	s3 =	sand.u32 $0x4000, s31;
	s1 =	sadd.s32 s1, s30  }
0xb9: {  	s0 =	sor.u32 s3, s0;
	s1 =	sshll.u32 s1, $0x11  }
0xba: {  	s0 =	sor.u32 s1, s0  }
0xbb: {  	s0 =	sadd.s32 $0x8F2B, s0  }
0xbc: {  	[sflag:s0] =	ssyncadd.remote.s32 $0x1  }
0xbd: {  	_ =	sfence.sel $0xFFFF  }
0xbe: {  	[dreg:$0x0] =	wrdreg $0xFFFFFFFF;
	(pc) =	sbr.abs _section_cstart, $3  }
0xbf: {  	[dreg:$0x1] =	wrdreg $0xFFFFFFFF  }
0xc0: {  	_ =	task.clear_ibuf [dreg:s6], $0x2FFFF;
	_ =	strace $0x9FFFFFFF  }
0xc1: {  	(tm) =	ssettm $0x7FFFFFFF  }
tec
execute0_lowered:
.L_overlay_start_1:
0x0: {  	(tag) =	ssettag $0x1  }
0x1: {  	s3 =	rddreg [dreg:$0x0];
	s2 =	srdreg.scid  }
0x2: {  	s0 =	rddreg [dreg:$0x1];
	s1 =	stileid.u32  }
0x3: {  	s8 =	simm.s32 $0x8000;
	s9 =	simm.s32 $0x9000;
	s4 =	sand.u32 $0x1, s2  }
0x4: {  	s2 =	simm.s32 $0x0;
	s5 =	sshll.u32 s1, $0x6;
	s6 =	sshll.u32 s4, $0x5  }
0x5: {  	s10 =	simm.s32 $0x0;
	[smem:$0x7FF] =	sst s2;
	s5 =	sor.u32 s6, s5  }
0x6: {  	s4 =	ssub.s32 $0x2, s4;
	_ =	strace $0x80000047;
	s6 =	sshll.u32 s5, $0x4  }
0x7: {  	s7 =	sshrl.u32 s4, $0x1;
	s5 =	sshll.u32 s5, $0x7;
	s6 =	sadd.s32 s6, s3  }
0x8: {  	s7 =	ssub.s32 s4, s7;
	s3 =	sadd.s32 s3, s5;
	s4 =	sadd.s32 $0x20000, s6  }
0x9: {  	v0 =	vlaneseq.u32;
	s5 =	sadd.s32 $0x24000, s6;
	s6 =	smax.u32 s7, $0x1;
	s7 =	simm.s32 $0x1  }
.LBB2_1:
0xa: {  	[tilespmem:s2], [sflag:$0x1] =	stream.linear.gather [hbm4b:s3+s2], $0x8000, $0x38;
	[tilespmem:$0xA000] =	vst v63  }
0xb: {  	_ =	swait.ge [sflag:s7], $0x8000  }
0xc: {  	[sflag:s7] =	ssyncset.done $0x0  }
0xd: {  	s11 =	simm.s32 $0x0;
	[sflag:s7] =	ssyncadd.s32 $0xFFFF8000  }
.LBB2_2:
0xe: {  	s13 =	sshll.u32 s11, $0xA;
	s12 =	sshll.u32 s11, $0x7  }
0xf: {  	s15 =	simm.s32 $0x0;
	s13 =	sand.u32 $0x6000, s13;
	s14 =	sand.u32 $0x380, s12  }
0x10: {  	s31 =	sand.u32 $0x1C00, s15;
	s13 =	sor.u32 s14, s13  }
0x11: {  	s16 =	sand.u32 $0x70, s15;
	s14 =	sadd.s32 s31, s13  }
0x12: {  	s14 =	sadd.s32 s16, s14  }
0x13: {  	v7 =	vld [tilespmem:s14+$0x0]  }
0x14: {  	v9 =	vimm.f32 $3.000000010e+38;
	v8 =	vimm.s32 $0x0  }
0x15: {  	v6 =	vimm.f32 $3.000000010e+38;
	v13 =	vimm.f32 $3.000000010e+38;
	v15 =	vimm.s32 $0x0  }
0x16: {  	v11 =	vimm.f32 $3.000000010e+38;
	v10 =	vimm.s32 $0x0;
	v2 =	vimm.s32 $0x0  }
0x17: {  	v5 =	vimm.s32 $0x0;
	v14 =	vimm.s32 $0x0;
	v12 =	vimm.s32 $0x0  }
0x18: {  	v3 =	vor.u32 s15, v0;
	vm1 =	vlt.f32 v7, v9;
	vm2 =	vlt.f32 v7, v9  }
0x19: {  	s15 =	simm.s32 $0x80;
	vm0 =	vlt.f32 v7, v9;
	v1 =	vsel vm1, v7, v9;
	v4 =	vsel vm1, v3, v8  }
0x1a: {  	s17 =	sand.u32 $0x1C00, s15;
	s16 =	simm.s32 $0x20;
	s14 =	simm.s32 $0x10;
	v16 =	vsel vm0, v7, v9;
	vm1 =	vmmov vm0;
	v1 =	vsel vm0, v9, v1  }
.LBB2_3:
0x1b: {  	p0 =	sne.s32 s16, $0x3F0;
	s18 =	sand.u32 $0x70, s14;
	s17 =	sadd.s32 s17, s13;
	vm3 =	vlt.f32 v7, v9;
	v16 =	vsel vm0, v6, v16;
	v6 =	vsel vm0, v7, v6  }
0x1c: {  	vm4 =	vlt.f32 v7, v13;
	s17 =	sadd.s32 s18, s17;
	v6 =	vsel vm3, v9, v6;
	v9 =	vsel vm3, v7, v9  }
0x1d: {  	v8 =	vsel vm4, v3, v8;
	v17 =	vld [tilespmem:s17+$0x0];
	v9 =	vsel vm4, v13, v9;
	v13 =	vsel vm4, v7, v13  }
0x1e: {  	v15 =	vsel vm3, v3, v15;
	v8 =	vsel vm2, v10, v8;
	v13 =	vsel vm2, v11, v13  }
0x1f: {  	v18 =	vsel vm1, v3, v2;
	v19 =	vsel vm0, v3, v5;
	v15 =	vsel vm4, v14, v15;
	v14 =	vmovc v8  }
.Ltmp0:
0x20: {  	v4 =	vsel vm1, v2, v4;
	v2 =	vsel vm0, v5, v18;
	v5 =	vsel vm3, v12, v19;
	v12 =	vmovc v15;
	(pc) =	sbr.rel @p0 .LBB2_3-.Ltmp0, $4  }
0x21: {  	v10 =	vsel vm2, v3, v10;
	v11 =	vsel vm2, v7, v11  }
0x22: {  	v3 =	vor.u32 s14, v0;
	s14 =	smov.u32 s16;
	vm2 =	vlt.f32 v17, v11;
	vm0 =	vlt.f32 v17, v1;
	v7 =	vmovc v17  }
0x23: {  	s15 =	sadd.s32 $0x80, s15;
	vm1 =	vlt.f32 v7, v16;
	v1 =	vsel vm0, v7, v1;
	v4 =	vsel vm0, v3, v4  }
0x24: {  	s17 =	sand.u32 $0x1C00, s15;
	s16 =	sadd.s32 $0x10, s16;
	vm0 =	vlt.f32 v7, v6;
	v1 =	vsel vm1, v16, v1;
	v16 =	vsel vm1, v7, v16  }
0x25: {  	s15 =	sand.u32 $0x70, s14;
	s13 =	sadd.s32 s17, s13  }
0x26: {  	s13 =	sadd.s32 s15, s13  }
0x27: {  	vm3 =	vlt.f32 v7, v9;
	v17 =	vld [tilespmem:s13+$0x0]  }
0x28: {  	v18 =	vsel vm0, v7, v6;
	vm4 =	vlt.f32 v7, v13;
	v44 =	vsel vm0, v3, v5  }
0x29: {  	v45 =	vsel vm2, v7, v11;
	v47 =	vsel vm2, v3, v10;
	v48 =	vor.u32 s14, v0  }
0x2a: {  	v53 =	vsel vm0, v6, v16;
	v19 =	vsel vm3, v7, v9;
	v41 =	vsel vm3, v9, v18  }
0x2b: {  	v43 =	vsel vm4, v7, v13;
	v8 =	vsel vm4, v3, v8;
	v15 =	vsel vm3, v3, v15  }
0x2c: {  	v42 =	vsel vm4, v13, v19;
	v13 =	vsel vm2, v11, v43;
	vm10 =	vlt.f32 v17, v45  }
0x2d: {  	v12 =	vsel vm3, v12, v44;
	vm11 =	vlt.f32 v17, v13;
	v49 =	vsel vm10, v17, v45  }
0x2e: {  	v8 =	vsel vm2, v10, v8;
	v50 =	vsel vm11, v17, v13;
	v51 =	vsel vm10, v48, v47;
	[tilespmem:s12+$0x8000] =	vst v49  }
0x2f: {  	vm12 =	vlt.f32 v17, v42;
	v52 =	vsel vm11, v48, v8;
	v7 =	vsel vm10, v45, v50;
	[tilespmem:s12+$0x9000] =	vst v51  }
0x30: {  	v46 =	vsel vm4, v14, v15;
	v54 =	vsel vm12, v17, v42;
	v10 =	vsel vm10, v47, v52;
	[tilespmem:s12+$0x8010] =	vst v7  }
0x31: {  	vm13 =	vlt.f32 v17, v41;
	v56 =	vsel vm12, v48, v46;
	v55 =	vsel vm11, v13, v54;
	[tilespmem:s12+$0x9010] =	vst v10  }
0x32: {  	v3 =	vsel vm1, v3, v2;
	v57 =	vsel vm13, v17, v41;
	v8 =	vsel vm11, v8, v56;
	[tilespmem:s12+$0x8020] =	vst v55  }
0x33: {  	s11 =	sadd.s32 $0x1, s11;
	vm14 =	vlt.f32 v17, v53;
	v59 =	vsel vm13, v48, v12;
	v58 =	vsel vm12, v42, v57;
	[tilespmem:s12+$0x9020] =	vst v8  }
0x34: {  	p0 =	sne.s32 s11, $0x20;
	v3 =	vsel vm0, v5, v3;
	v60 =	vsel vm14, v17, v53;
	v61 =	vsel vm12, v46, v59;
	[tilespmem:s12+$0x8030] =	vst v58  }
.Ltmp1:
0x35: {  	vm15 =	vlt.f32 v17, v1;
	v62 =	vsel vm14, v48, v3;
	v5 =	vsel vm13, v41, v60;
	[tilespmem:s12+$0x9030] =	vst v61;
	(pc) =	sbr.rel @p0 .LBB2_2-.Ltmp1, $4  }
0x36: {  	v2 =	vsel vm1, v2, v4;
	v1 =	vsel vm15, v17, v1;
	v63 =	vsel vm13, v12, v62;
	[tilespmem:s12+$0x8040] =	vst v5  }
0x37: {  	v2 =	vsel vm15, v48, v2;
	v1 =	vsel vm14, v53, v1;
	[tilespmem:s12+$0x9040] =	vst v63  }
0x38: {  	v2 =	vsel vm14, v3, v2;
	[tilespmem:s12+$0x8050] =	vst v1  }
0x39: {  	[tilespmem:s12+$0x9050] =	vst v2  }
0x3a: {  	[hbm4b:s4+s2] =	stream.linear.scatter [tilespmem:s8], [sflag:$0x1], $0x1000, $0x38;
	[tilespmem:$0xA000] =	vst v63  }
0x3b: {  	s10 =	sadd.s32 $0x1, s10;
	_ =	swait.ge [sflag:s7], $0x1000  }
0x3c: {  	p0 =	sne.s32 s10, s6;
	[sflag:s7] =	ssyncset.done $0x0  }
.Ltmp2:
0x3d: {  	[sflag:s7] =	ssyncadd.s32 $0xFFFFF000;
	(pc) =	sbr.rel @p0 .LBB2_1-.Ltmp2, $4  }
0x3e: {  	[hbm4b:s5+s2] =	stream.linear.scatter [tilespmem:s9], [sflag:$0x1], $0x1000, $0x38;
	[tilespmem:$0xA000] =	vst v63  }
0x3f: {  	_ =	swait.ge [sflag:s7], $0x1000  }
0x40: {  	[sflag:s7] =	ssyncset.done $0x0  }
0x41: {  	[sflag:s7] =	ssyncadd.s32 $0xFFFFF000  }
0x42: {  	_ =	sfence.sel $0x180000  }
0x43: {  	[bflag:$0x0] =	sbarrier.arrive $0xFFFF  }
0x44: {  	p0 =	sne.s32 s1, $0x0;
	_ =	strace $0x90000047  }
0x45: {  	s0 =	sadd.s32 @!p0 $0x100000, s0;
	[bflag:$0x2] =	sbarrier.arrive $0xFFFF  }
0x46: {  	[sflag:s0] =	ssyncadd.tile.s32 @!p0 $0x1;
	_ =	shalt  }
.Lfunc_end2:
_tile_overlayer_lowered:
.L_overlay_start_2:
0x47: {  	(tag) =	ssettag $0x2  }
0x48: {  	s0 =	rddreg [dreg:$0x0];
	s2 =	stileid.u32  }
0x49: {  	s1 =	rddreg [dreg:$0x1];
	p0 =	sne.s32 s2, $0x0  }
0x4a: {  	s3 =	rddreg [dreg:$0x2];
	[bflag:$0x3] =	sbarrier.arrive $0xFFFF;
	s2 =	simm.s32 @!p0 $0x1C01  }
0x4b: {  	[timem:s3], [sflag:s2] =	dma.local @!p0 [hbm:s0], s1  }
0x4c: {  	s0 =	simm.s32 @!p0 $0x1  }
0x4d: {  	_ =	swait.ge @!p0 [sflag:s0], s1  }
0x4e: {  	s1 =	ssub.s32 @!p0 $0x0, s1;
	[sflag:s0] =	ssyncset.done @!p0 $0x0  }
0x4f: {  	[sflag:s0] =	ssyncadd.s32 @!p0 s1  }
0x50: {  	[bflag:$0x3] =	sbarrier.arrive $0xFFFF  }
0x51: {  	_ =	shalt  }

</sc_bundles>
